<compile_context>
chip_gen: v7x
topology: tpu7x:2x2x1
jax: 0.10.2.dev20260603
libtpu: 0.0.44.dev20260713+nightly
codegen_flags: <defaults>
</compile_context>

<pallas_src>
import functools

import jax
import jax.numpy as jnp
from jax import lax
from jax.experimental import pallas as pl
from jax.experimental.pallas import tpu as pltpu
from jax.experimental.pallas import tpu_sc as plsc

NUM_EMB_K = 100000
EMB_D = 64
HASHED_K = 64000 * 10
BATCH_K = 4096
BAG_K = 50

NC = 2
NS = 16
NW = NC * NS

A_ROWS_PER_TILE = NUM_EMB_K // NW
A_CHUNK_ROWS = 125
A_CHUNKS = A_ROWS_PER_TILE // A_CHUNK_ROWS
A_CHUNK_ELEMS = A_CHUNK_ROWS * EMB_D
A_HBM_PART = 1200
A_SP_PART = A_CHUNK_ELEMS - A_HBM_PART

B_BAGS_PER_TILE = BATCH_K // NW
B_GROUP = 16
B_GROUPS = B_BAGS_PER_TILE // B_GROUP
B_GROUP_IDS = B_GROUP * BAG_K


def _wid():
    return lax.axis_index("s") * NC + lax.axis_index("c")


HW_SHARD = HASHED_K // NS
CH = A_CHUNK_ELEMS

A_SCRATCH = [
    pltpu.VMEM((2 * CH,), jnp.int32),
    pltpu.VMEM((2 * CH,), jnp.int32),
    pltpu.VMEM((2 * CH,), jnp.float32),
    pltpu.VMEM((2 * CH,), jnp.float32),
    pltpu.VMEM((2 * CH,), jnp.float32),
    pltpu.VMEM_SHARED((HASHED_K,), jnp.float32),
    pltpu.SemaphoreType.DMA,
    pltpu.SemaphoreType.DMA,
    pltpu.SemaphoreType.DMA,
    pltpu.SemaphoreType.DMA,
    pltpu.SemaphoreType.DMA,
    pltpu.SemaphoreType.DMA,
    pltpu.SemaphoreType.DMA,
    pltpu.SemaphoreType.DMA,
]


def _build_table_body(
    hw, idx0f, idx1f, tflat,
    i0d, i1d, v0d, v1d, td, hw_sh,
    gh0, gh1, gs0, gs1, ix0, ix1, wr0, wr1,
):
    sid = lax.axis_index("s")
    sem_gh = (gh0, gh1)
    sem_gs = (gs0, gs1)
    sem_ix = (ix0, ix1)
    sem_wr = (wr0, wr1)

    def stage(k, _):
        off = sid * HW_SHARD + k * CH
        pltpu.sync_copy(hw.at[pl.ds(off, CH)], v0d.at[pl.ds(0, CH)])
        pltpu.sync_copy(v0d.at[pl.ds(0, CH)], hw_sh.at[pl.ds(off, CH)])
        return 0

    lax.fori_loop(0, HW_SHARD // CH, stage, 0)
    plsc.subcore_barrier()

    base = _wid() * A_ROWS_PER_TILE * EMB_D

    def d_idx(cj, b):
        off = base + cj * CH
        return (
            pltpu.make_async_copy(
                idx0f.at[pl.ds(off, CH)], i0d.at[pl.ds(b * CH, CH)], sem_ix[b]
            ),
            pltpu.make_async_copy(
                idx1f.at[pl.ds(off, CH)], i1d.at[pl.ds(b * CH, CH)], sem_ix[b]
            ),
        )

    def d_gather(b):
        o = b * CH
        hbm_part = (
            (
                pltpu.make_async_copy(
                    hw.at[i0d.at[pl.ds(o, A_HBM_PART)]],
                    v0d.at[pl.ds(o, A_HBM_PART)],
                    sem_gh[b],
                ),
                pltpu.make_async_copy(
                    hw.at[i1d.at[pl.ds(o, A_HBM_PART)]],
                    v1d.at[pl.ds(o, A_HBM_PART)],
                    sem_gh[b],
                ),
            )
            if A_HBM_PART
            else ()
        )
        return hbm_part + (
            pltpu.make_async_copy(
                hw_sh.at[i0d.at[pl.ds(o + A_HBM_PART, A_SP_PART)]],
                v0d.at[pl.ds(o + A_HBM_PART, A_SP_PART)],
                sem_gs[b],
            ),
            pltpu.make_async_copy(
                hw_sh.at[i1d.at[pl.ds(o + A_HBM_PART, A_SP_PART)]],
                v1d.at[pl.ds(o + A_HBM_PART, A_SP_PART)],
                sem_gs[b],
            ),
        )

    def d_wr(cj, b):
        return pltpu.make_async_copy(
            td.at[pl.ds(b * CH, CH)],
            tflat.at[pl.ds(base + cj * CH, CH)],
            sem_wr[b],
        )

    for d in d_idx(0, 0):
        d.start()
    for d in d_idx(0, 0):
        d.wait()
    for d in d_gather(0):
        d.start()
    for d in d_idx(1, 1):
        d.start()

    def half_step(h, _):
        for b in range(2):
            ci = 2 * h + b
            nb = 1 - b

            @pl.when(ci < A_CHUNKS)
            def _():
                for d in d_gather(b):
                    d.wait()

                @pl.when(ci + 1 < A_CHUNKS)
                def _():
                    for d in d_idx(ci + 1, nb):
                        d.wait()
                    for d in d_gather(nb):
                        d.start()

                @pl.when(ci + 2 < A_CHUNKS)
                def _():
                    for d in d_idx(ci + 2, b):
                        d.start()

                @pl.when(ci >= 2)
                def _():
                    d_wr(ci - 2, b).wait()

                def add_vec(k, _):
                    o = b * CH + k * EMB_D
                    for u in range(4):
                        s = pl.ds(o + u * 16, 16)
                        td[s] = v0d[s] + v1d[s]
                    return 0

                lax.fori_loop(0, A_CHUNK_ROWS, add_vec, 0)
                d_wr(ci, b).start()

        return 0

    lax.fori_loop(0, (A_CHUNKS + 1) // 2, half_step, 0)
    d_wr(A_CHUNKS - 2, (A_CHUNKS - 2) % 2).wait()
    d_wr(A_CHUNKS - 1, (A_CHUNKS - 1) % 2).wait()


B_SCRATCH = [
    pltpu.VMEM((2 * B_GROUP_IDS,), jnp.int32),
    pltpu.VMEM((2 * B_GROUP_IDS, EMB_D), jnp.float32),
    pltpu.VMEM((2 * B_GROUP, EMB_D), jnp.float32),
    pltpu.SemaphoreType.DMA,
    pltpu.SemaphoreType.DMA,
    pltpu.SemaphoreType.DMA,
    pltpu.SemaphoreType.DMA,
    pltpu.SemaphoreType.DMA,
    pltpu.SemaphoreType.DMA,
]


def _bag_pool_body(
    table, xflat, out, xg_v, rows_v, out_v, gr0, gr1, ix0, ix1, wr0, wr1
):
    tile_bag0 = _wid() * B_BAGS_PER_TILE
    sem_gr = (gr0, gr1)
    sem_ix = (ix0, ix1)
    sem_wr = (wr0, wr1)

    def d_ids(ci, b):
        bag0 = tile_bag0 + ci * B_GROUP
        return pltpu.make_async_copy(
            xflat.at[pl.ds(bag0 * BAG_K, B_GROUP_IDS)],
            xg_v.at[pl.ds(b * B_GROUP_IDS, B_GROUP_IDS)],
            sem_ix[b],
        )

    def d_rows(b):
        return pltpu.make_async_copy(
            table.at[xg_v.at[pl.ds(b * B_GROUP_IDS, B_GROUP_IDS)]],
            rows_v.at[pl.ds(b * B_GROUP_IDS, B_GROUP_IDS)],
            sem_gr[b],
        )

    def d_out(ci, b):
        bag0 = tile_bag0 + ci * B_GROUP
        return pltpu.make_async_copy(
            out_v.at[pl.ds(b * B_GROUP, B_GROUP)],
            out.at[pl.ds(bag0, B_GROUP)],
            sem_wr[b],
        )

    d_ids(0, 0).start()
    d_ids(0, 0).wait()
    d_rows(0).start()
    d_ids(1, 1).start()

    def half_step(h, _):
        for b in range(2):
            ci = 2 * h + b
            nb = 1 - b

            d_rows(b).wait()

            @pl.when(ci + 1 < B_GROUPS)
            def _():
                d_ids(ci + 1, nb).wait()
                d_rows(nb).start()

            @pl.when(ci + 2 < B_GROUPS)
            def _():
                d_ids(ci + 2, b).start()

            @pl.when(ci >= 2)
            def _():
                d_out(ci - 2, b).wait()

            def bag(g, _):
                def lstep(l, acc):
                    r = b * B_GROUP_IDS + g * BAG_K + l
                    return tuple(
                        acc[c] + rows_v[r, pl.ds(c * 16, 16)] for c in range(4)
                    )

                z = jnp.zeros((16,), jnp.float32)
                acc = lax.fori_loop(0, BAG_K, lstep, (z, z, z, z))
                for c in range(4):
                    out_v[b * B_GROUP + g, pl.ds(c * 16, 16)] = acc[c]
                return 0

            lax.fori_loop(0, B_GROUP, bag, 0)
            d_out(ci, b).start()

        return 0

    lax.fori_loop(0, B_GROUPS // 2, half_step, 0)
    d_out(B_GROUPS - 2, 0).wait()
    d_out(B_GROUPS - 1, 1).wait()


_build_table = pl.kernel(
    _build_table_body,
    out_type=jax.ShapeDtypeStruct((NUM_EMB_K * EMB_D,), jnp.float32),
    mesh=plsc.VectorSubcoreMesh(core_axis_name="c", subcore_axis_name="s", num_cores=NC, num_subcores=NS),
    scratch_types=A_SCRATCH,
    compiler_params=pltpu.CompilerParams(use_tc_tiling_on_sc=False),
)

_bag_pool = pl.kernel(
    _bag_pool_body,
    out_type=jax.ShapeDtypeStruct((BATCH_K, EMB_D), jnp.float32),
    mesh=plsc.VectorSubcoreMesh(core_axis_name="c", subcore_axis_name="s", num_cores=NC, num_subcores=NS),
    scratch_types=B_SCRATCH,
    compiler_params=pltpu.CompilerParams(use_tc_tiling_on_sc=False),
)


def kernel(x, hashed_weight, idx0, idx1):
    xflat = x.reshape(-1)
    i0 = idx0.reshape(-1)
    i1 = idx1.reshape(-1)
    tflat = _build_table(hashed_weight, i0, i1)
    table = tflat.reshape(NUM_EMB_K, EMB_D)
    return _bag_pool(table, xflat)

# --- scband reference (transcript-rebuilt; emitter-appended) ---
"""Pipeline reference for scband-hash-embedding-bag-multi-update-69638599737921 (READ-ONLY COPY).

The authoritative reference and input builder live on the scoring server;
editing this copy changes nothing except your own understanding.
"""

import jax, jax.numpy as jnp
import numpy as np

NUM_EMB = 100000
EMB_DIM = 64
COMPRESSION = 0.1
UPDATE_COUNT = 2
HASHED_SIZE = int(NUM_EMB * EMB_DIM * COMPRESSION)
BATCH = 4096
BAG_LEN = 50


def _hash_idx(u):
    # Deterministic 2D->1D hash (stand-in for xxhash-based idxW{u} matrix).
    i = np.arange(NUM_EMB, dtype=np.int64)[:, None]
    j = np.arange(EMB_DIM, dtype=np.int64)[None, :]
    idx = ((i * 32452843 + j * 86028121 + u * 15485863) % 512927357) % HASHED_SIZE
    return jnp.asarray(idx.astype(np.int32))


def setup_inputs(seed: int = 0) -> dict:
    key = jax.random.key(seed)
    k1, k2 = jax.random.split(key)
    x = jax.random.randint(k1, (BATCH, BAG_LEN), 0, NUM_EMB, dtype=jnp.int32)
    bound = float(np.sqrt(1.0 / NUM_EMB))
    hashed_weight = jax.random.uniform(
        k2, (HASHED_SIZE,), minval=-bound, maxval=bound, dtype=jnp.float32
    )
    idx0 = _hash_idx(0)
    idx1 = _hash_idx(1)
    return {"x": x, "hashed_weight": hashed_weight, "idx0": idx0, "idx1": idx1}


def reference(x, hashed_weight, idx0, idx1):
    # F.embedding_bag(x, hashed_weight[idx0], mode='sum') on 2D x (each row = one bag)
    table0 = hashed_weight[idx0]                    # [NUM_EMB, EMB_DIM] gather
    res = jnp.take(table0, x, axis=0).sum(axis=1)   # [BATCH, EMB_DIM]
    # second update (update_count=2)
    table1 = hashed_weight[idx1]
    res = res + jnp.take(table1, x, axis=0).sum(axis=1)
    return res

if __name__ == "__main__":
    import jax
    _d = setup_inputs()
    print(jax.jit(kernel)(*tuple(_d.values())))

</pallas_src>

<mosaic_0001>
#map = affine_map<(d0, d1) -> (0, 0)>
#map1 = affine_map<(d0, d1) -> (0)>
module attributes {stable_mosaic.version = 14 : i64} {
  func.func @_bag_pool_body(%arg0: i32, %arg1: i32, %arg2: memref<100000x64xf32, #tpu.memory_space<hbm>>, %arg3: memref<204800xi32, #tpu.memory_space<hbm>>, %arg4: memref<4096x64xf32, #tpu.memory_space<hbm>>, %arg5: memref<1600xi32, #tpu.memory_space<vmem>>, %arg6: memref<1600x64xf32, #tpu.memory_space<vmem>>, %arg7: memref<32x64xf32, #tpu.memory_space<vmem>>, %arg8: memref<!tpu.dma_semaphore, #tpu.memory_space<semaphore_mem>>, %arg9: memref<!tpu.dma_semaphore, #tpu.memory_space<semaphore_mem>>, %arg10: memref<!tpu.dma_semaphore, #tpu.memory_space<semaphore_mem>>, %arg11: memref<!tpu.dma_semaphore, #tpu.memory_space<semaphore_mem>>, %arg12: memref<!tpu.dma_semaphore, #tpu.memory_space<semaphore_mem>>, %arg13: memref<!tpu.dma_semaphore, #tpu.memory_space<semaphore_mem>>) attributes {dimension_semantics = [#tpu.dimension_semantics<core_parallel>, #tpu.dimension_semantics<subcore_parallel>], iteration_bounds = array<i64: 2, 16>, scalar_prefetch = 0 : i64, scratch_operands = 9 : i64, tpu.core_type = #tpu.core_type<sc_vector_subcore>, window_params = [{transform_indices = #map}, {transform_indices = #map1}, {transform_indices = #map}]} {
    %mul3A = arith.constant 2 : i32
    %mul3A_0 = arith.muli %arg1, %mul3A : i32
    %add3A = arith.addi %mul3A_0, %arg0 : i32
    %mul3A_1 = arith.constant 128 : i32
    %mul3A_2 = arith.muli %add3A, %mul3A_1 : i32
    %add3A_3 = arith.constant 0 : i32
    %add3A_4 = arith.addi %mul3A_2, %add3A_3 : i32
    %mul3A_5 = arith.constant 50 : i32
    %mul3A_6 = arith.muli %add3A_4, %mul3A_5 : i32
    %dma_start3A = arith.constant 0 : i32
    %dma_start3A_7 = tpu.memref_slice %arg5[%dma_start3A] : memref<1600xi32, #tpu.memory_space<vmem>> -> memref<800xi32, #tpu.memory_space<vmem>>
    %dma_start3A_8 = tpu.memref_slice %arg3[%mul3A_6] : memref<204800xi32, #tpu.memory_space<hbm>> -> memref<800xi32, #tpu.memory_space<hbm>>
    %dma_start3A_9 = arith.constant 0 : i32
    %dma_start3A_10 = tpu.memref_slice %arg5[%dma_start3A_9] : memref<1600xi32, #tpu.memory_space<vmem>> -> memref<800xi32, #tpu.memory_space<vmem>>
    %dma_start3A_11 = tpu.memref_slice %arg3[%mul3A_6] : memref<204800xi32, #tpu.memory_space<hbm>> -> memref<800xi32, #tpu.memory_space<hbm>>
    tpu.enqueue_dma source(%dma_start3A_11 : memref<800xi32, #tpu.memory_space<hbm>>) target(%dma_start3A_10 : memref<800xi32, #tpu.memory_space<vmem>>) target_semaphore(%arg10 : memref<!tpu.dma_semaphore, #tpu.memory_space<semaphore_mem>>)
    %add3A_12 = arith.constant 0 : i32
    %add3A_13 = arith.addi %mul3A_2, %add3A_12 : i32
    %mul3A_14 = arith.constant 50 : i32
    %mul3A_15 = arith.muli %add3A_13, %mul3A_14 : i32
    %dma_wait3A = arith.constant 0 : i32
    %dma_wait3A_16 = tpu.memref_slice %arg5[%dma_wait3A] : memref<1600xi32, #tpu.memory_space<vmem>> -> memref<800xi32, #tpu.memory_space<vmem>>
    %dma_wait3A_17 = tpu.memref_slice %arg3[%mul3A_15] : memref<204800xi32, #tpu.memory_space<hbm>> -> memref<800xi32, #tpu.memory_space<hbm>>
    %dma_wait3A_18 = arith.constant 0 : i32
    %dma_wait3A_19 = tpu.memref_slice %arg5[%dma_wait3A_18] : memref<1600xi32, #tpu.memory_space<vmem>> -> memref<800xi32, #tpu.memory_space<vmem>>
    %dma_wait3A_20 = tpu.memref_slice %arg3[%mul3A_15] : memref<204800xi32, #tpu.memory_space<hbm>> -> memref<800xi32, #tpu.memory_space<hbm>>
    tpu.wait_dma2 semaphore(%arg10 : memref<!tpu.dma_semaphore, #tpu.memory_space<semaphore_mem>>) src(%dma_wait3A_20 : memref<800xi32, #tpu.memory_space<hbm>>) dst(%dma_wait3A_19 : memref<800xi32, #tpu.memory_space<vmem>>)
    %dma_start3A_21 = arith.constant 0 : i32
    %dma_start3A_22 = arith.constant 0 : i32
    %dma_start3A_23 = tpu.memref_slice %arg6[%dma_start3A_21, %dma_start3A_22] : memref<1600x64xf32, #tpu.memory_space<vmem>> -> memref<800x64xf32, #tpu.memory_space<vmem>>
    %dma_start3A_24 = arith.constant 0 : i32
    %dma_start3A_25 = tpu.memref_slice %arg5[%dma_start3A_24] : memref<1600xi32, #tpu.memory_space<vmem>> -> memref<800xi32, #tpu.memory_space<vmem>>
    %dma_start3A_26 = arith.constant 0 : i32
    %dma_start3A_27 = arith.constant 0 : i32
    %dma_start3A_28 = tpu.memref_slice %arg2[%dma_start3A_26, %dma_start3A_27] : memref<100000x64xf32, #tpu.memory_space<hbm>> -> memref<100000x64xf32, #tpu.memory_space<hbm>>
    tpu.enqueue_indirect_dma source(%dma_start3A_28 : memref<100000x64xf32, #tpu.memory_space<hbm>>) target(%dma_start3A_23 : memref<800x64xf32, #tpu.memory_space<vmem>>) offsets(%dma_start3A_25 : memref<800xi32, #tpu.memory_space<vmem>>) semaphore(%arg8 : memref<!tpu.dma_semaphore, #tpu.memory_space<semaphore_mem>>)
    %add3A_29 = arith.constant 16 : i32
    %add3A_30 = arith.addi %mul3A_2, %add3A_29 : i32
    %mul3A_31 = arith.constant 50 : i32
    %mul3A_32 = arith.muli %add3A_30, %mul3A_31 : i32
    %dma_start3A_33 = arith.constant 800 : i32
    %dma_start3A_34 = tpu.memref_slice %arg5[%dma_start3A_33] : memref<1600xi32, #tpu.memory_space<vmem>> -> memref<800xi32, #tpu.memory_space<vmem>>
    %dma_start3A_35 = tpu.memref_slice %arg3[%mul3A_32] : memref<204800xi32, #tpu.memory_space<hbm>> -> memref<800xi32, #tpu.memory_space<hbm>>
    %dma_start3A_36 = arith.constant 800 : i32
    %dma_start3A_37 = tpu.memref_slice %arg5[%dma_start3A_36] : memref<1600xi32, #tpu.memory_space<vmem>> -> memref<800xi32, #tpu.memory_space<vmem>>
    %dma_start3A_38 = tpu.memref_slice %arg3[%mul3A_32] : memref<204800xi32, #tpu.memory_space<hbm>> -> memref<800xi32, #tpu.memory_space<hbm>>
    tpu.enqueue_dma source(%dma_start3A_38 : memref<800xi32, #tpu.memory_space<hbm>>) target(%dma_start3A_37 : memref<800xi32, #tpu.memory_space<vmem>>) target_semaphore(%arg11 : memref<!tpu.dma_semaphore, #tpu.memory_space<semaphore_mem>>)
    %scan3A = arith.constant 0 : i32
    %scan3A_39 = arith.constant 0 : i32
    %scan3A_40 = arith.constant 4 : i32
    %scan3A_41 = arith.addi %scan3A_39, %scan3A_40 : i32
    %scan3A_42 = arith.constant 1 : i32
    %scan3A_43 = scf.for %scan3A_69 = %scan3A_39 to %scan3A_41 step %scan3A_42 iter_args(%scan3A_70 = %scan3A) -> (i32)  : i32 {
      %mul3A_71 = arith.constant 2 : i32
      %mul3A_72 = arith.muli %mul3A_71, %scan3A_69 : i32
      %add3A_73 = arith.constant 0 : i32
      %add3A_74 = arith.addi %mul3A_72, %add3A_73 : i32
      %dma_wait3A_75 = arith.constant 0 : i32
      %dma_wait3A_76 = arith.constant 0 : i32
      %dma_wait3A_77 = tpu.memref_slice %arg6[%dma_wait3A_75, %dma_wait3A_76] : memref<1600x64xf32, #tpu.memory_space<vmem>> -> memref<800x64xf32, #tpu.memory_space<vmem>>
      %dma_wait3A_78 = arith.constant 0 : i32
      %dma_wait3A_79 = tpu.memref_slice %arg5[%dma_wait3A_78] : memref<1600xi32, #tpu.memory_space<vmem>> -> memref<800xi32, #tpu.memory_space<vmem>>
      %dma_wait3A_80 = arith.constant 0 : i32
      %dma_wait3A_81 = arith.constant 0 : i32
      %dma_wait3A_82 = tpu.memref_slice %arg2[%dma_wait3A_80, %dma_wait3A_81] : memref<100000x64xf32, #tpu.memory_space<hbm>> -> memref<100000x64xf32, #tpu.memory_space<hbm>>
      tpu.wait_indirect_dma semaphore(%arg8 : memref<!tpu.dma_semaphore, #tpu.memory_space<semaphore_mem>>) src(%dma_wait3A_82 : memref<100000x64xf32, #tpu.memory_space<hbm>>) dst(%dma_wait3A_77 : memref<800x64xf32, #tpu.memory_space<vmem>>)
      %add3A_83 = arith.constant 1 : i32
      %add3A_84 = arith.addi %add3A_74, %add3A_83 : i32
      %lt3A = arith.constant 8 : i32
      %lt3A_85 = arith.cmpi slt, %add3A_84, %lt3A : i32
      %convert_element_type3A = arith.extui %lt3A_85 : i1 to i32
      %cond3A = arith.constant 0 : i32
      %cond3A_86 = arith.cmpi ne, %convert_element_type3A, %cond3A : i32
      scf.if %cond3A_86 {
        %add3A_170 = arith.constant 1 : i32
        %add3A_171 = arith.addi %add3A_74, %add3A_170 : i32
        %mul3A_172 = arith.constant 16 : i32
        %mul3A_173 = arith.muli %add3A_171, %mul3A_172 : i32
        %add3A_174 = arith.addi %mul3A_2, %mul3A_173 : i32
        %mul3A_175 = arith.constant 50 : i32
        %mul3A_176 = arith.muli %add3A_174, %mul3A_175 : i32
        %dma_wait3A_177 = arith.constant 800 : i32
        %dma_wait3A_178 = tpu.memref_slice %arg5[%dma_wait3A_177] : memref<1600xi32, #tpu.memory_space<vmem>> -> memref<800xi32, #tpu.memory_space<vmem>>
        %dma_wait3A_179 = tpu.memref_slice %arg3[%mul3A_176] : memref<204800xi32, #tpu.memory_space<hbm>> -> memref<800xi32, #tpu.memory_space<hbm>>
        %dma_wait3A_180 = arith.constant 800 : i32
        %dma_wait3A_181 = tpu.memref_slice %arg5[%dma_wait3A_180] : memref<1600xi32, #tpu.memory_space<vmem>> -> memref<800xi32, #tpu.memory_space<vmem>>
        %dma_wait3A_182 = tpu.memref_slice %arg3[%mul3A_176] : memref<204800xi32, #tpu.memory_space<hbm>> -> memref<800xi32, #tpu.memory_space<hbm>>
        tpu.wait_dma2 semaphore(%arg11 : memref<!tpu.dma_semaphore, #tpu.memory_space<semaphore_mem>>) src(%dma_wait3A_182 : memref<800xi32, #tpu.memory_space<hbm>>) dst(%dma_wait3A_181 : memref<800xi32, #tpu.memory_space<vmem>>)
        %dma_start3A_183 = arith.constant 800 : i32
        %dma_start3A_184 = arith.constant 0 : i32
        %dma_start3A_185 = tpu.memref_slice %arg6[%dma_start3A_183, %dma_start3A_184] : memref<1600x64xf32, #tpu.memory_space<vmem>> -> memref<800x64xf32, #tpu.memory_space<vmem>>
        %dma_start3A_186 = arith.constant 800 : i32
        %dma_start3A_187 = tpu.memref_slice %arg5[%dma_start3A_186] : memref<1600xi32, #tpu.memory_space<vmem>> -> memref<800xi32, #tpu.memory_space<vmem>>
        %dma_start3A_188 = arith.constant 0 : i32
        %dma_start3A_189 = arith.constant 0 : i32
        %dma_start3A_190 = tpu.memref_slice %arg2[%dma_start3A_188, %dma_start3A_189] : memref<100000x64xf32, #tpu.memory_space<hbm>> -> memref<100000x64xf32, #tpu.memory_space<hbm>>
        tpu.enqueue_indirect_dma source(%dma_start3A_190 : memref<100000x64xf32, #tpu.memory_space<hbm>>) target(%dma_start3A_185 : memref<800x64xf32, #tpu.memory_space<vmem>>) offsets(%dma_start3A_187 : memref<800xi32, #tpu.memory_space<vmem>>) semaphore(%arg9 : memref<!tpu.dma_semaphore, #tpu.memory_space<semaphore_mem>>)
      } else {
      }
      %add3A_87 = arith.constant 2 : i32
      %add3A_88 = arith.addi %add3A_74, %add3A_87 : i32
      %lt3A_89 = arith.constant 8 : i32
      %lt3A_90 = arith.cmpi slt, %add3A_88, %lt3A_89 : i32
      %convert_element_type3A_91 = arith.extui %lt3A_90 : i1 to i32
      %cond3A_92 = arith.constant 0 : i32
      %cond3A_93 = arith.cmpi ne, %convert_element_type3A_91, %cond3A_92 : i32
      scf.if %cond3A_93 {
        %add3A_170 = arith.constant 2 : i32
        %add3A_171 = arith.addi %add3A_74, %add3A_170 : i32
        %mul3A_172 = arith.constant 16 : i32
        %mul3A_173 = arith.muli %add3A_171, %mul3A_172 : i32
        %add3A_174 = arith.addi %mul3A_2, %mul3A_173 : i32
        %mul3A_175 = arith.constant 50 : i32
        %mul3A_176 = arith.muli %add3A_174, %mul3A_175 : i32
        %dma_start3A_177 = arith.constant 0 : i32
        %dma_start3A_178 = tpu.memref_slice %arg5[%dma_start3A_177] : memref<1600xi32, #tpu.memory_space<vmem>> -> memref<800xi32, #tpu.memory_space<vmem>>
        %dma_start3A_179 = tpu.memref_slice %arg3[%mul3A_176] : memref<204800xi32, #tpu.memory_space<hbm>> -> memref<800xi32, #tpu.memory_space<hbm>>
        %dma_start3A_180 = arith.constant 0 : i32
        %dma_start3A_181 = tpu.memref_slice %arg5[%dma_start3A_180] : memref<1600xi32, #tpu.memory_space<vmem>> -> memref<800xi32, #tpu.memory_space<vmem>>
        %dma_start3A_182 = tpu.memref_slice %arg3[%mul3A_176] : memref<204800xi32, #tpu.memory_space<hbm>> -> memref<800xi32, #tpu.memory_space<hbm>>
        tpu.enqueue_dma source(%dma_start3A_182 : memref<800xi32, #tpu.memory_space<hbm>>) target(%dma_start3A_181 : memref<800xi32, #tpu.memory_space<vmem>>) target_semaphore(%arg10 : memref<!tpu.dma_semaphore, #tpu.memory_space<semaphore_mem>>)
      } else {
      }
      %ge3A = arith.constant 2 : i32
      %ge3A_94 = arith.cmpi sge, %add3A_74, %ge3A : i32
      %convert_element_type3A_95 = arith.extui %ge3A_94 : i1 to i32
      %cond3A_96 = arith.constant 0 : i32
      %cond3A_97 = arith.cmpi ne, %convert_element_type3A_95, %cond3A_96 : i32
      scf.if %cond3A_97 {
        %sub3A = arith.constant 2 : i32
        %sub3A_170 = arith.subi %add3A_74, %sub3A : i32
        %mul3A_171 = arith.constant 16 : i32
        %mul3A_172 = arith.muli %sub3A_170, %mul3A_171 : i32
        %add3A_173 = arith.addi %mul3A_2, %mul3A_172 : i32
        %dma_wait3A_174 = arith.constant 0 : i32
        %dma_wait3A_175 = arith.constant 0 : i32
        %dma_wait3A_176 = tpu.memref_slice %arg7[%dma_wait3A_174, %dma_wait3A_175] : memref<32x64xf32, #tpu.memory_space<vmem>> -> memref<16x64xf32, #tpu.memory_space<vmem>>
        %dma_wait3A_177 = arith.constant 0 : i32
        %dma_wait3A_178 = tpu.memref_slice %arg4[%add3A_173, %dma_wait3A_177] : memref<4096x64xf32, #tpu.memory_space<hbm>> -> memref<16x64xf32, #tpu.memory_space<hbm>>
        %dma_wait3A_179 = arith.constant 0 : i32
        %dma_wait3A_180 = tpu.memref_slice %arg4[%add3A_173, %dma_wait3A_179] : memref<4096x64xf32, #tpu.memory_space<hbm>> -> memref<16x64xf32, #tpu.memory_space<hbm>>
        %dma_wait3A_181 = arith.constant 0 : i32
        %dma_wait3A_182 = arith.constant 0 : i32
        %dma_wait3A_183 = tpu.memref_slice %arg7[%dma_wait3A_181, %dma_wait3A_182] : memref<32x64xf32, #tpu.memory_space<vmem>> -> memref<16x64xf32, #tpu.memory_space<vmem>>
        tpu.wait_dma2 semaphore(%arg12 : memref<!tpu.dma_semaphore, #tpu.memory_space<semaphore_mem>>) src(%dma_wait3A_183 : memref<16x64xf32, #tpu.memory_space<vmem>>) dst(%dma_wait3A_180 : memref<16x64xf32, #tpu.memory_space<hbm>>)
      } else {
      }
      %scan3A_98 = arith.constant 0 : i32
      %scan3A_99 = arith.constant 0 : i32
      %scan3A_100 = arith.constant 16 : i32
      %scan3A_101 = arith.addi %scan3A_99, %scan3A_100 : i32
      %scan3A_102 = arith.constant 1 : i32
      %scan3A_103 = scf.for %scan3A_170 = %scan3A_99 to %scan3A_101 step %scan3A_102 iter_args(%scan3A_171 = %scan3A_98) -> (i32)  : i32 {
        %broadcast_in_dim3A = arith.constant 0.000000e+00 : f32
        %broadcast_in_dim3A_172 = vector.broadcast %broadcast_in_dim3A : f32 to vector<16xf32>
        %scan3A_173 = arith.constant 0 : i32
        %scan3A_174 = arith.constant 50 : i32
        %scan3A_175 = arith.addi %scan3A_173, %scan3A_174 : i32
        %scan3A_176 = arith.constant 1 : i32
        %scan3A_177:4 = scf.for %scan3A_207 = %scan3A_173 to %scan3A_175 step %scan3A_176 iter_args(%scan3A_208 = %broadcast_in_dim3A_172, %scan3A_209 = %broadcast_in_dim3A_172, %scan3A_210 = %broadcast_in_dim3A_172, %scan3A_211 = %broadcast_in_dim3A_172) -> (vector<16xf32>, vector<16xf32>, vector<16xf32>, vector<16xf32>)  : i32 {
          %mul3A_212 = arith.constant 50 : i32
          %mul3A_213 = arith.muli %scan3A_170, %mul3A_212 : i32
          %add3A_214 = arith.constant 0 : i32
          %add3A_215 = arith.addi %add3A_214, %mul3A_213 : i32
          %add3A_216 = arith.addi %add3A_215, %scan3A_207 : i32
          %get3A = arith.index_cast %add3A_216 : i32 to index
          %get3A_217 = arith.constant 0 : index
          %get3A_218 = tpu.vector_load %arg6[%get3A, %get3A_217] {strides = array<i32>} : memref<1600x64xf32, #tpu.memory_space<vmem>>, vector<1x16xf32>,
          %get3A_219 = vector.shape_cast %get3A_218 : vector<1x16xf32> to vector<16xf32>
          %add3A_220 = arith.addf %scan3A_208, %get3A_219 : vector<16xf32>
          %get3A_221 = arith.index_cast %add3A_216 : i32 to index
          %get3A_222 = arith.constant 16 : index
          %get3A_223 = tpu.vector_load %arg6[%get3A_221, %get3A_222] {strides = array<i32>} : memref<1600x64xf32, #tpu.memory_space<vmem>>, vector<1x16xf32>,
          %get3A_224 = vector.shape_cast %get3A_223 : vector<1x16xf32> to vector<16xf32>
          %add3A_225 = arith.addf %scan3A_209, %get3A_224 : vector<16xf32>
          %get3A_226 = arith.index_cast %add3A_216 : i32 to index
          %get3A_227 = arith.constant 32 : index
          %get3A_228 = tpu.vector_load %arg6[%get3A_226, %get3A_227] {strides = array<i32>} : memref<1600x64xf32, #tpu.memory_space<vmem>>, vector<1x16xf32>,
          %get3A_229 = vector.shape_cast %get3A_228 : vector<1x16xf32> to vector<16xf32>
          %add3A_230 = arith.addf %scan3A_210, %get3A_229 : vector<16xf32>
          %get3A_231 = arith.index_cast %add3A_216 : i32 to index
          %get3A_232 = arith.constant 48 : index
          %get3A_233 = tpu.vector_load %arg6[%get3A_231, %get3A_232] {strides = array<i32>} : memref<1600x64xf32, #tpu.memory_space<vmem>>, vector<1x16xf32>,
          %get3A_234 = vector.shape_cast %get3A_233 : vector<1x16xf32> to vector<16xf32>
          %add3A_235 = arith.addf %scan3A_211, %get3A_234 : vector<16xf32>
          scf.yield %add3A_220, %add3A_225, %add3A_230, %add3A_235 : vector<16xf32>, vector<16xf32>, vector<16xf32>, vector<16xf32>
        }
        %scan3A_178 = arith.constant 50 : i32
        %add3A_179 = arith.constant 0 : i32
        %add3A_180 = arith.addi %add3A_179, %scan3A_170 : i32
        %swap3A = arith.index_cast %add3A_180 : i32 to index
        %swap3A_181 = arith.constant 0 : index
        %swap3A_182 = tpu.vector_load %arg7[%swap3A, %swap3A_181] {strides = array<i32>} : memref<32x64xf32, #tpu.memory_space<vmem>>, vector<1x16xf32>,
        %swap3A_183 = vector.shape_cast %swap3A_182 : vector<1x16xf32> to vector<16xf32>
        %swap3A_184 = vector.shape_cast %scan3A_177#0 : vector<16xf32> to vector<1x16xf32>
        tpu.vector_store %arg7[%swap3A, %swap3A_181], %swap3A_184 {strides = array<i32>} : memref<32x64xf32, #tpu.memory_space<vmem>>, vector<1x16xf32>,
        %add3A_185 = arith.constant 0 : i32
        %add3A_186 = arith.addi %add3A_185, %scan3A_170 : i32
        %swap3A_187 = arith.index_cast %add3A_186 : i32 to index
        %swap3A_188 = arith.constant 16 : index
        %swap3A_189 = tpu.vector_load %arg7[%swap3A_187, %swap3A_188] {strides = array<i32>} : memref<32x64xf32, #tpu.memory_space<vmem>>, vector<1x16xf32>,
        %swap3A_190 = vector.shape_cast %swap3A_189 : vector<1x16xf32> to vector<16xf32>
        %swap3A_191 = vector.shape_cast %scan3A_177#1 : vector<16xf32> to vector<1x16xf32>
        tpu.vector_store %arg7[%swap3A_187, %swap3A_188], %swap3A_191 {strides = array<i32>} : memref<32x64xf32, #tpu.memory_space<vmem>>, vector<1x16xf32>,
        %add3A_192 = arith.constant 0 : i32
        %add3A_193 = arith.addi %add3A_192, %scan3A_170 : i32
        %swap3A_194 = arith.index_cast %add3A_193 : i32 to index
        %swap3A_195 = arith.constant 32 : index
        %swap3A_196 = tpu.vector_load %arg7[%swap3A_194, %swap3A_195] {strides = array<i32>} : memref<32x64xf32, #tpu.memory_space<vmem>>, vector<1x16xf32>,
        %swap3A_197 = vector.shape_cast %swap3A_196 : vector<1x16xf32> to vector<16xf32>
        %swap3A_198 = vector.shape_cast %scan3A_177#2 : vector<16xf32> to vector<1x16xf32>
        tpu.vector_store %arg7[%swap3A_194, %swap3A_195], %swap3A_198 {strides = array<i32>} : memref<32x64xf32, #tpu.memory_space<vmem>>, vector<1x16xf32>,
        %add3A_199 = arith.constant 0 : i32
        %add3A_200 = arith.addi %add3A_199, %scan3A_170 : i32
        %swap3A_201 = arith.index_cast %add3A_200 : i32 to index
        %swap3A_202 = arith.constant 48 : index
        %swap3A_203 = tpu.vector_load %arg7[%swap3A_201, %swap3A_202] {strides = array<i32>} : memref<32x64xf32, #tpu.memory_space<vmem>>, vector<1x16xf32>,
        %swap3A_204 = vector.shape_cast %swap3A_203 : vector<1x16xf32> to vector<16xf32>
        %swap3A_205 = vector.shape_cast %scan3A_177#3 : vector<16xf32> to vector<1x16xf32>
        tpu.vector_store %arg7[%swap3A_201, %swap3A_202], %swap3A_205 {strides = array<i32>} : memref<32x64xf32, #tpu.memory_space<vmem>>, vector<1x16xf32>,
        %scan3A_206 = arith.constant 0 : i32
        scf.yield %scan3A_206 : i32
      }
      %scan3A_104 = arith.constant 16 : i32
      %mul3A_105 = arith.constant 16 : i32
      %mul3A_106 = arith.muli %add3A_74, %mul3A_105 : i32
      %add3A_107 = arith.addi %mul3A_2, %mul3A_106 : i32
      %dma_start3A_108 = arith.constant 0 : i32
      %dma_start3A_109 = arith.constant 0 : i32
      %dma_start3A_110 = tpu.memref_slice %arg7[%dma_start3A_108, %dma_start3A_109] : memref<32x64xf32, #tpu.memory_space<vmem>> -> memref<16x64xf32, #tpu.memory_space<vmem>>
      %dma_start3A_111 = arith.constant 0 : i32
      %dma_start3A_112 = tpu.memref_slice %arg4[%add3A_107, %dma_start3A_111] : memref<4096x64xf32, #tpu.memory_space<hbm>> -> memref<16x64xf32, #tpu.memory_space<hbm>>
      %dma_start3A_113 = arith.constant 0 : i32
      %dma_start3A_114 = tpu.memref_slice %arg4[%add3A_107, %dma_start3A_113] : memref<4096x64xf32, #tpu.memory_space<hbm>> -> memref<16x64xf32, #tpu.memory_space<hbm>>
      %dma_start3A_115 = arith.constant 0 : i32
      %dma_start3A_116 = arith.constant 0 : i32
      %dma_start3A_117 = tpu.memref_slice %arg7[%dma_start3A_115, %dma_start3A_116] : memref<32x64xf32, #tpu.memory_space<vmem>> -> memref<16x64xf32, #tpu.memory_space<vmem>>
      tpu.enqueue_dma source(%dma_start3A_117 : memref<16x64xf32, #tpu.memory_space<vmem>>) target(%dma_start3A_114 : memref<16x64xf32, #tpu.memory_space<hbm>>) target_semaphore(%arg12 : memref<!tpu.dma_semaphore, #tpu.memory_space<semaphore_mem>>)
      %mul3A_118 = arith.constant 2 : i32
      %mul3A_119 = arith.muli %mul3A_118, %scan3A_69 : i32
      %add3A_120 = arith.constant 1 : i32
      %add3A_121 = arith.addi %mul3A_119, %add3A_120 : i32
      %dma_wait3A_122 = arith.constant 800 : i32
      %dma_wait3A_123 = arith.constant 0 : i32
      %dma_wait3A_124 = tpu.memref_slice %arg6[%dma_wait3A_122, %dma_wait3A_123] : memref<1600x64xf32, #tpu.memory_space<vmem>> -> memref<800x64xf32, #tpu.memory_space<vmem>>
      %dma_wait3A_125 = arith.constant 800 : i32
      %dma_wait3A_126 = tpu.memref_slice %arg5[%dma_wait3A_125] : memref<1600xi32, #tpu.memory_space<vmem>> -> memref<800xi32, #tpu.memory_space<vmem>>
      %dma_wait3A_127 = arith.constant 0 : i32
      %dma_wait3A_128 = arith.constant 0 : i32
      %dma_wait3A_129 = tpu.memref_slice %arg2[%dma_wait3A_127, %dma_wait3A_128] : memref<100000x64xf32, #tpu.memory_space<hbm>> -> memref<100000x64xf32, #tpu.memory_space<hbm>>
      tpu.wait_indirect_dma semaphore(%arg9 : memref<!tpu.dma_semaphore, #tpu.memory_space<semaphore_mem>>) src(%dma_wait3A_129 : memref<100000x64xf32, #tpu.memory_space<hbm>>) dst(%dma_wait3A_124 : memref<800x64xf32, #tpu.memory_space<vmem>>)
      %add3A_130 = arith.constant 1 : i32
      %add3A_131 = arith.addi %add3A_121, %add3A_130 : i32
      %lt3A_132 = arith.constant 8 : i32
      %lt3A_133 = arith.cmpi slt, %add3A_131, %lt3A_132 : i32
      %convert_element_type3A_134 = arith.extui %lt3A_133 : i1 to i32
      %cond3A_135 = arith.constant 0 : i32
      %cond3A_136 = arith.cmpi ne, %convert_element_type3A_134, %cond3A_135 : i32
      scf.if %cond3A_136 {
        %add3A_170 = arith.constant 1 : i32
        %add3A_171 = arith.addi %add3A_121, %add3A_170 : i32
        %mul3A_172 = arith.constant 16 : i32
        %mul3A_173 = arith.muli %add3A_171, %mul3A_172 : i32
        %add3A_174 = arith.addi %mul3A_2, %mul3A_173 : i32
        %mul3A_175 = arith.constant 50 : i32
        %mul3A_176 = arith.muli %add3A_174, %mul3A_175 : i32
        %dma_wait3A_177 = arith.constant 0 : i32
        %dma_wait3A_178 = tpu.memref_slice %arg5[%dma_wait3A_177] : memref<1600xi32, #tpu.memory_space<vmem>> -> memref<800xi32, #tpu.memory_space<vmem>>
        %dma_wait3A_179 = tpu.memref_slice %arg3[%mul3A_176] : memref<204800xi32, #tpu.memory_space<hbm>> -> memref<800xi32, #tpu.memory_space<hbm>>
        %dma_wait3A_180 = arith.constant 0 : i32
        %dma_wait3A_181 = tpu.memref_slice %arg5[%dma_wait3A_180] : memref<1600xi32, #tpu.memory_space<vmem>> -> memref<800xi32, #tpu.memory_space<vmem>>
        %dma_wait3A_182 = tpu.memref_slice %arg3[%mul3A_176] : memref<204800xi32, #tpu.memory_space<hbm>> -> memref<800xi32, #tpu.memory_space<hbm>>
        tpu.wait_dma2 semaphore(%arg10 : memref<!tpu.dma_semaphore, #tpu.memory_space<semaphore_mem>>) src(%dma_wait3A_182 : memref<800xi32, #tpu.memory_space<hbm>>) dst(%dma_wait3A_181 : memref<800xi32, #tpu.memory_space<vmem>>)
        %dma_start3A_183 = arith.constant 0 : i32
        %dma_start3A_184 = arith.constant 0 : i32
        %dma_start3A_185 = tpu.memref_slice %arg6[%dma_start3A_183, %dma_start3A_184] : memref<1600x64xf32, #tpu.memory_space<vmem>> -> memref<800x64xf32, #tpu.memory_space<vmem>>
        %dma_start3A_186 = arith.constant 0 : i32
        %dma_start3A_187 = tpu.memref_slice %arg5[%dma_start3A_186] : memref<1600xi32, #tpu.memory_space<vmem>> -> memref<800xi32, #tpu.memory_space<vmem>>
        %dma_start3A_188 = arith.constant 0 : i32
        %dma_start3A_189 = arith.constant 0 : i32
        %dma_start3A_190 = tpu.memref_slice %arg2[%dma_start3A_188, %dma_start3A_189] : memref<100000x64xf32, #tpu.memory_space<hbm>> -> memref<100000x64xf32, #tpu.memory_space<hbm>>
        tpu.enqueue_indirect_dma source(%dma_start3A_190 : memref<100000x64xf32, #tpu.memory_space<hbm>>) target(%dma_start3A_185 : memref<800x64xf32, #tpu.memory_space<vmem>>) offsets(%dma_start3A_187 : memref<800xi32, #tpu.memory_space<vmem>>) semaphore(%arg8 : memref<!tpu.dma_semaphore, #tpu.memory_space<semaphore_mem>>)
      } else {
      }
      %add3A_137 = arith.constant 2 : i32
      %add3A_138 = arith.addi %add3A_121, %add3A_137 : i32
      %lt3A_139 = arith.constant 8 : i32
      %lt3A_140 = arith.cmpi slt, %add3A_138, %lt3A_139 : i32
      %convert_element_type3A_141 = arith.extui %lt3A_140 : i1 to i32
      %cond3A_142 = arith.constant 0 : i32
      %cond3A_143 = arith.cmpi ne, %convert_element_type3A_141, %cond3A_142 : i32
      scf.if %cond3A_143 {
        %add3A_170 = arith.constant 2 : i32
        %add3A_171 = arith.addi %add3A_121, %add3A_170 : i32
        %mul3A_172 = arith.constant 16 : i32
        %mul3A_173 = arith.muli %add3A_171, %mul3A_172 : i32
        %add3A_174 = arith.addi %mul3A_2, %mul3A_173 : i32
        %mul3A_175 = arith.constant 50 : i32
        %mul3A_176 = arith.muli %add3A_174, %mul3A_175 : i32
        %dma_start3A_177 = arith.constant 800 : i32
        %dma_start3A_178 = tpu.memref_slice %arg5[%dma_start3A_177] : memref<1600xi32, #tpu.memory_space<vmem>> -> memref<800xi32, #tpu.memory_space<vmem>>
        %dma_start3A_179 = tpu.memref_slice %arg3[%mul3A_176] : memref<204800xi32, #tpu.memory_space<hbm>> -> memref<800xi32, #tpu.memory_space<hbm>>
        %dma_start3A_180 = arith.constant 800 : i32
        %dma_start3A_181 = tpu.memref_slice %arg5[%dma_start3A_180] : memref<1600xi32, #tpu.memory_space<vmem>> -> memref<800xi32, #tpu.memory_space<vmem>>
        %dma_start3A_182 = tpu.memref_slice %arg3[%mul3A_176] : memref<204800xi32, #tpu.memory_space<hbm>> -> memref<800xi32, #tpu.memory_space<hbm>>
        tpu.enqueue_dma source(%dma_start3A_182 : memref<800xi32, #tpu.memory_space<hbm>>) target(%dma_start3A_181 : memref<800xi32, #tpu.memory_space<vmem>>) target_semaphore(%arg11 : memref<!tpu.dma_semaphore, #tpu.memory_space<semaphore_mem>>)
      } else {
      }
      %ge3A_144 = arith.constant 2 : i32
      %ge3A_145 = arith.cmpi sge, %add3A_121, %ge3A_144 : i32
      %convert_element_type3A_146 = arith.extui %ge3A_145 : i1 to i32
      %cond3A_147 = arith.constant 0 : i32
      %cond3A_148 = arith.cmpi ne, %convert_element_type3A_146, %cond3A_147 : i32
      scf.if %cond3A_148 {
        %sub3A = arith.constant 2 : i32
        %sub3A_170 = arith.subi %add3A_121, %sub3A : i32
        %mul3A_171 = arith.constant 16 : i32
        %mul3A_172 = arith.muli %sub3A_170, %mul3A_171 : i32
        %add3A_173 = arith.addi %mul3A_2, %mul3A_172 : i32
        %dma_wait3A_174 = arith.constant 16 : i32
        %dma_wait3A_175 = arith.constant 0 : i32
        %dma_wait3A_176 = tpu.memref_slice %arg7[%dma_wait3A_174, %dma_wait3A_175] : memref<32x64xf32, #tpu.memory_space<vmem>> -> memref<16x64xf32, #tpu.memory_space<vmem>>
        %dma_wait3A_177 = arith.constant 0 : i32
        %dma_wait3A_178 = tpu.memref_slice %arg4[%add3A_173, %dma_wait3A_177] : memref<4096x64xf32, #tpu.memory_space<hbm>> -> memref<16x64xf32, #tpu.memory_space<hbm>>
        %dma_wait3A_179 = arith.constant 0 : i32
        %dma_wait3A_180 = tpu.memref_slice %arg4[%add3A_173, %dma_wait3A_179] : memref<4096x64xf32, #tpu.memory_space<hbm>> -> memref<16x64xf32, #tpu.memory_space<hbm>>
        %dma_wait3A_181 = arith.constant 16 : i32
        %dma_wait3A_182 = arith.constant 0 : i32
        %dma_wait3A_183 = tpu.memref_slice %arg7[%dma_wait3A_181, %dma_wait3A_182] : memref<32x64xf32, #tpu.memory_space<vmem>> -> memref<16x64xf32, #tpu.memory_space<vmem>>
        tpu.wait_dma2 semaphore(%arg13 : memref<!tpu.dma_semaphore, #tpu.memory_space<semaphore_mem>>) src(%dma_wait3A_183 : memref<16x64xf32, #tpu.memory_space<vmem>>) dst(%dma_wait3A_180 : memref<16x64xf32, #tpu.memory_space<hbm>>)
      } else {
      }
      %scan3A_149 = arith.constant 0 : i32
      %scan3A_150 = arith.constant 0 : i32
      %scan3A_151 = arith.constant 16 : i32
      %scan3A_152 = arith.addi %scan3A_150, %scan3A_151 : i32
      %scan3A_153 = arith.constant 1 : i32
      %scan3A_154 = scf.for %scan3A_170 = %scan3A_150 to %scan3A_152 step %scan3A_153 iter_args(%scan3A_171 = %scan3A_149) -> (i32)  : i32 {
        %broadcast_in_dim3A = arith.constant 0.000000e+00 : f32
        %broadcast_in_dim3A_172 = vector.broadcast %broadcast_in_dim3A : f32 to vector<16xf32>
        %scan3A_173 = arith.constant 0 : i32
        %scan3A_174 = arith.constant 50 : i32
        %scan3A_175 = arith.addi %scan3A_173, %scan3A_174 : i32
        %scan3A_176 = arith.constant 1 : i32
        %scan3A_177:4 = scf.for %scan3A_207 = %scan3A_173 to %scan3A_175 step %scan3A_176 iter_args(%scan3A_208 = %broadcast_in_dim3A_172, %scan3A_209 = %broadcast_in_dim3A_172, %scan3A_210 = %broadcast_in_dim3A_172, %scan3A_211 = %broadcast_in_dim3A_172) -> (vector<16xf32>, vector<16xf32>, vector<16xf32>, vector<16xf32>)  : i32 {
          %mul3A_212 = arith.constant 50 : i32
          %mul3A_213 = arith.muli %scan3A_170, %mul3A_212 : i32
          %add3A_214 = arith.constant 800 : i32
          %add3A_215 = arith.addi %add3A_214, %mul3A_213 : i32
          %add3A_216 = arith.addi %add3A_215, %scan3A_207 : i32
          %get3A = arith.index_cast %add3A_216 : i32 to index
          %get3A_217 = arith.constant 0 : index
          %get3A_218 = tpu.vector_load %arg6[%get3A, %get3A_217] {strides = array<i32>} : memref<1600x64xf32, #tpu.memory_space<vmem>>, vector<1x16xf32>,
          %get3A_219 = vector.shape_cast %get3A_218 : vector<1x16xf32> to vector<16xf32>
          %add3A_220 = arith.addf %scan3A_208, %get3A_219 : vector<16xf32>
          %get3A_221 = arith.index_cast %add3A_216 : i32 to index
          %get3A_222 = arith.constant 16 : index
          %get3A_223 = tpu.vector_load %arg6[%get3A_221, %get3A_222] {strides = array<i32>} : memref<1600x64xf32, #tpu.memory_space<vmem>>, vector<1x16xf32>,
          %get3A_224 = vector.shape_cast %get3A_223 : vector<1x16xf32> to vector<16xf32>
          %add3A_225 = arith.addf %scan3A_209, %get3A_224 : vector<16xf32>
          %get3A_226 = arith.index_cast %add3A_216 : i32 to index
          %get3A_227 = arith.constant 32 : index
          %get3A_228 = tpu.vector_load %arg6[%get3A_226, %get3A_227] {strides = array<i32>} : memref<1600x64xf32, #tpu.memory_space<vmem>>, vector<1x16xf32>,
          %get3A_229 = vector.shape_cast %get3A_228 : vector<1x16xf32> to vector<16xf32>
          %add3A_230 = arith.addf %scan3A_210, %get3A_229 : vector<16xf32>
          %get3A_231 = arith.index_cast %add3A_216 : i32 to index
          %get3A_232 = arith.constant 48 : index
          %get3A_233 = tpu.vector_load %arg6[%get3A_231, %get3A_232] {strides = array<i32>} : memref<1600x64xf32, #tpu.memory_space<vmem>>, vector<1x16xf32>,
          %get3A_234 = vector.shape_cast %get3A_233 : vector<1x16xf32> to vector<16xf32>
          %add3A_235 = arith.addf %scan3A_211, %get3A_234 : vector<16xf32>
          scf.yield %add3A_220, %add3A_225, %add3A_230, %add3A_235 : vector<16xf32>, vector<16xf32>, vector<16xf32>, vector<16xf32>
        }
        %scan3A_178 = arith.constant 50 : i32
        %add3A_179 = arith.constant 16 : i32
        %add3A_180 = arith.addi %add3A_179, %scan3A_170 : i32
        %swap3A = arith.index_cast %add3A_180 : i32 to index
        %swap3A_181 = arith.constant 0 : index
        %swap3A_182 = tpu.vector_load %arg7[%swap3A, %swap3A_181] {strides = array<i32>} : memref<32x64xf32, #tpu.memory_space<vmem>>, vector<1x16xf32>,
        %swap3A_183 = vector.shape_cast %swap3A_182 : vector<1x16xf32> to vector<16xf32>
        %swap3A_184 = vector.shape_cast %scan3A_177#0 : vector<16xf32> to vector<1x16xf32>
        tpu.vector_store %arg7[%swap3A, %swap3A_181], %swap3A_184 {strides = array<i32>} : memref<32x64xf32, #tpu.memory_space<vmem>>, vector<1x16xf32>,
        %add3A_185 = arith.constant 16 : i32
        %add3A_186 = arith.addi %add3A_185, %scan3A_170 : i32
        %swap3A_187 = arith.index_cast %add3A_186 : i32 to index
        %swap3A_188 = arith.constant 16 : index
        %swap3A_189 = tpu.vector_load %arg7[%swap3A_187, %swap3A_188] {strides = array<i32>} : memref<32x64xf32, #tpu.memory_space<vmem>>, vector<1x16xf32>,
        %swap3A_190 = vector.shape_cast %swap3A_189 : vector<1x16xf32> to vector<16xf32>
        %swap3A_191 = vector.shape_cast %scan3A_177#1 : vector<16xf32> to vector<1x16xf32>
        tpu.vector_store %arg7[%swap3A_187, %swap3A_188], %swap3A_191 {strides = array<i32>} : memref<32x64xf32, #tpu.memory_space<vmem>>, vector<1x16xf32>,
        %add3A_192 = arith.constant 16 : i32
        %add3A_193 = arith.addi %add3A_192, %scan3A_170 : i32
        %swap3A_194 = arith.index_cast %add3A_193 : i32 to index
        %swap3A_195 = arith.constant 32 : index
        %swap3A_196 = tpu.vector_load %arg7[%swap3A_194, %swap3A_195] {strides = array<i32>} : memref<32x64xf32, #tpu.memory_space<vmem>>, vector<1x16xf32>,
        %swap3A_197 = vector.shape_cast %swap3A_196 : vector<1x16xf32> to vector<16xf32>
        %swap3A_198 = vector.shape_cast %scan3A_177#2 : vector<16xf32> to vector<1x16xf32>
        tpu.vector_store %arg7[%swap3A_194, %swap3A_195], %swap3A_198 {strides = array<i32>} : memref<32x64xf32, #tpu.memory_space<vmem>>, vector<1x16xf32>,
        %add3A_199 = arith.constant 16 : i32
        %add3A_200 = arith.addi %add3A_199, %scan3A_170 : i32
        %swap3A_201 = arith.index_cast %add3A_200 : i32 to index
        %swap3A_202 = arith.constant 48 : index
        %swap3A_203 = tpu.vector_load %arg7[%swap3A_201, %swap3A_202] {strides = array<i32>} : memref<32x64xf32, #tpu.memory_space<vmem>>, vector<1x16xf32>,
        %swap3A_204 = vector.shape_cast %swap3A_203 : vector<1x16xf32> to vector<16xf32>
        %swap3A_205 = vector.shape_cast %scan3A_177#3 : vector<16xf32> to vector<1x16xf32>
        tpu.vector_store %arg7[%swap3A_201, %swap3A_202], %swap3A_205 {strides = array<i32>} : memref<32x64xf32, #tpu.memory_space<vmem>>, vector<1x16xf32>,
        %scan3A_206 = arith.constant 0 : i32
        scf.yield %scan3A_206 : i32
      }
      %scan3A_155 = arith.constant 16 : i32
      %mul3A_156 = arith.constant 16 : i32
      %mul3A_157 = arith.muli %add3A_121, %mul3A_156 : i32
      %add3A_158 = arith.addi %mul3A_2, %mul3A_157 : i32
      %dma_start3A_159 = arith.constant 16 : i32
      %dma_start3A_160 = arith.constant 0 : i32
      %dma_start3A_161 = tpu.memref_slice %arg7[%dma_start3A_159, %dma_start3A_160] : memref<32x64xf32, #tpu.memory_space<vmem>> -> memref<16x64xf32, #tpu.memory_space<vmem>>
      %dma_start3A_162 = arith.constant 0 : i32
      %dma_start3A_163 = tpu.memref_slice %arg4[%add3A_158, %dma_start3A_162] : memref<4096x64xf32, #tpu.memory_space<hbm>> -> memref<16x64xf32, #tpu.memory_space<hbm>>
      %dma_start3A_164 = arith.constant 0 : i32
      %dma_start3A_165 = tpu.memref_slice %arg4[%add3A_158, %dma_start3A_164] : memref<4096x64xf32, #tpu.memory_space<hbm>> -> memref<16x64xf32, #tpu.memory_space<hbm>>
      %dma_start3A_166 = arith.constant 16 : i32
      %dma_start3A_167 = arith.constant 0 : i32
      %dma_start3A_168 = tpu.memref_slice %arg7[%dma_start3A_166, %dma_start3A_167] : memref<32x64xf32, #tpu.memory_space<vmem>> -> memref<16x64xf32, #tpu.memory_space<vmem>>
      tpu.enqueue_dma source(%dma_start3A_168 : memref<16x64xf32, #tpu.memory_space<vmem>>) target(%dma_start3A_165 : memref<16x64xf32, #tpu.memory_space<hbm>>) target_semaphore(%arg13 : memref<!tpu.dma_semaphore, #tpu.memory_space<semaphore_mem>>)
      %scan3A_169 = arith.constant 0 : i32
      scf.yield %scan3A_169 : i32
    }
    %scan3A_44 = arith.constant 4 : i32
    %add3A_45 = arith.constant 96 : i32
    %add3A_46 = arith.addi %mul3A_2, %add3A_45 : i32
    %dma_wait3A_47 = arith.constant 0 : i32
    %dma_wait3A_48 = arith.constant 0 : i32
    %dma_wait3A_49 = tpu.memref_slice %arg7[%dma_wait3A_47, %dma_wait3A_48] : memref<32x64xf32, #tpu.memory_space<vmem>> -> memref<16x64xf32, #tpu.memory_space<vmem>>
    %dma_wait3A_50 = arith.constant 0 : i32
    %dma_wait3A_51 = tpu.memref_slice %arg4[%add3A_46, %dma_wait3A_50] : memref<4096x64xf32, #tpu.memory_space<hbm>> -> memref<16x64xf32, #tpu.memory_space<hbm>>
    %dma_wait3A_52 = arith.constant 0 : i32
    %dma_wait3A_53 = tpu.memref_slice %arg4[%add3A_46, %dma_wait3A_52] : memref<4096x64xf32, #tpu.memory_space<hbm>> -> memref<16x64xf32, #tpu.memory_space<hbm>>
    %dma_wait3A_54 = arith.constant 0 : i32
    %dma_wait3A_55 = arith.constant 0 : i32
    %dma_wait3A_56 = tpu.memref_slice %arg7[%dma_wait3A_54, %dma_wait3A_55] : memref<32x64xf32, #tpu.memory_space<vmem>> -> memref<16x64xf32, #tpu.memory_space<vmem>>
    tpu.wait_dma2 semaphore(%arg12 : memref<!tpu.dma_semaphore, #tpu.memory_space<semaphore_mem>>) src(%dma_wait3A_56 : memref<16x64xf32, #tpu.memory_space<vmem>>) dst(%dma_wait3A_53 : memref<16x64xf32, #tpu.memory_space<hbm>>)
    %add3A_57 = arith.constant 112 : i32
    %add3A_58 = arith.addi %mul3A_2, %add3A_57 : i32
    %dma_wait3A_59 = arith.constant 16 : i32
    %dma_wait3A_60 = arith.constant 0 : i32
    %dma_wait3A_61 = tpu.memref_slice %arg7[%dma_wait3A_59, %dma_wait3A_60] : memref<32x64xf32, #tpu.memory_space<vmem>> -> memref<16x64xf32, #tpu.memory_space<vmem>>
    %dma_wait3A_62 = arith.constant 0 : i32
    %dma_wait3A_63 = tpu.memref_slice %arg4[%add3A_58, %dma_wait3A_62] : memref<4096x64xf32, #tpu.memory_space<hbm>> -> memref<16x64xf32, #tpu.memory_space<hbm>>
    %dma_wait3A_64 = arith.constant 0 : i32
    %dma_wait3A_65 = tpu.memref_slice %arg4[%add3A_58, %dma_wait3A_64] : memref<4096x64xf32, #tpu.memory_space<hbm>> -> memref<16x64xf32, #tpu.memory_space<hbm>>
    %dma_wait3A_66 = arith.constant 16 : i32
    %dma_wait3A_67 = arith.constant 0 : i32
    %dma_wait3A_68 = tpu.memref_slice %arg7[%dma_wait3A_66, %dma_wait3A_67] : memref<32x64xf32, #tpu.memory_space<vmem>> -> memref<16x64xf32, #tpu.memory_space<vmem>>
    tpu.wait_dma2 semaphore(%arg13 : memref<!tpu.dma_semaphore, #tpu.memory_space<semaphore_mem>>) src(%dma_wait3A_68 : memref<16x64xf32, #tpu.memory_space<vmem>>) dst(%dma_wait3A_65 : memref<16x64xf32, #tpu.memory_space<hbm>>)
    return
  }
}

#map = affine_map<(d0, d1) -> (0)>
module attributes {stable_mosaic.version = 14 : i64} {
  func.func @_build_table_body(%arg0: i32, %arg1: i32, %arg2: memref<640000xf32, #tpu.memory_space<hbm>>, %arg3: memref<6400000xi32, #tpu.memory_space<hbm>>, %arg4: memref<6400000xi32, #tpu.memory_space<hbm>>, %arg5: memref<6400000xf32, #tpu.memory_space<hbm>>, %arg6: memref<16000xi32, #tpu.memory_space<vmem>>, %arg7: memref<16000xi32, #tpu.memory_space<vmem>>, %arg8: memref<16000xf32, #tpu.memory_space<vmem>>, %arg9: memref<16000xf32, #tpu.memory_space<vmem>>, %arg10: memref<16000xf32, #tpu.memory_space<vmem>>, %arg11: memref<640000xf32, #tpu.memory_space<vmem_shared>>, %arg12: memref<!tpu.dma_semaphore, #tpu.memory_space<semaphore_mem>>, %arg13: memref<!tpu.dma_semaphore, #tpu.memory_space<semaphore_mem>>, %arg14: memref<!tpu.dma_semaphore, #tpu.memory_space<semaphore_mem>>, %arg15: memref<!tpu.dma_semaphore, #tpu.memory_space<semaphore_mem>>, %arg16: memref<!tpu.dma_semaphore, #tpu.memory_space<semaphore_mem>>, %arg17: memref<!tpu.dma_semaphore, #tpu.memory_space<semaphore_mem>>, %arg18: memref<!tpu.dma_semaphore, #tpu.memory_space<semaphore_mem>>, %arg19: memref<!tpu.dma_semaphore, #tpu.memory_space<semaphore_mem>>) attributes {dimension_semantics = [#tpu.dimension_semantics<core_parallel>, #tpu.dimension_semantics<subcore_parallel>], iteration_bounds = array<i64: 2, 16>, scalar_prefetch = 0 : i64, scratch_operands = 14 : i64, tpu.core_type = #tpu.core_type<sc_vector_subcore>, window_params = [{transform_indices = #map}, {transform_indices = #map}, {transform_indices = #map}, {transform_indices = #map}]} {
    %scan3A = arith.constant 0 : i32
    %scan3A_0 = arith.constant 0 : i32
    %scan3A_1 = arith.constant 5 : i32
    %scan3A_2 = arith.addi %scan3A_0, %scan3A_1 : i32
    %scan3A_3 = arith.constant 1 : i32
    %scan3A_4 = scf.for %scan3A_98 = %scan3A_0 to %scan3A_2 step %scan3A_3 iter_args(%scan3A_99 = %scan3A) -> (i32)  : i32 {
      %mul3A_100 = arith.constant 40000 : i32
      %mul3A_101 = arith.muli %arg1, %mul3A_100 : i32
      %mul3A_102 = arith.constant 8000 : i32
      %mul3A_103 = arith.muli %scan3A_98, %mul3A_102 : i32
      %add3A_104 = arith.addi %mul3A_101, %mul3A_103 : i32
      "tpu.region"() ({
        %run_scoped3A = tpu.sem_alloc : memref<!tpu.dma_semaphore, #tpu.memory_space<semaphore_mem>>
        %dma_start3A_106 = arith.constant 0 : i32
        %dma_start3A_107 = tpu.memref_slice %arg8[%dma_start3A_106] : memref<16000xf32, #tpu.memory_space<vmem>> -> memref<8000xf32, #tpu.memory_space<vmem>>
        %dma_start3A_108 = tpu.memref_slice %arg2[%add3A_104] : memref<640000xf32, #tpu.memory_space<hbm>> -> memref<8000xf32, #tpu.memory_space<hbm>>
        %dma_start3A_109 = arith.constant 0 : i32
        %dma_start3A_110 = tpu.memref_slice %arg8[%dma_start3A_109] : memref<16000xf32, #tpu.memory_space<vmem>> -> memref<8000xf32, #tpu.memory_space<vmem>>
        %dma_start3A_111 = tpu.memref_slice %arg2[%add3A_104] : memref<640000xf32, #tpu.memory_space<hbm>> -> memref<8000xf32, #tpu.memory_space<hbm>>
        tpu.enqueue_dma source(%dma_start3A_111 : memref<8000xf32, #tpu.memory_space<hbm>>) target(%dma_start3A_110 : memref<8000xf32, #tpu.memory_space<vmem>>) target_semaphore(%run_scoped3A : memref<!tpu.dma_semaphore, #tpu.memory_space<semaphore_mem>>)
        %dma_wait3A_112 = arith.constant 0 : i32
        %dma_wait3A_113 = tpu.memref_slice %arg8[%dma_wait3A_112] : memref<16000xf32, #tpu.memory_space<vmem>> -> memref<8000xf32, #tpu.memory_space<vmem>>
        %dma_wait3A_114 = tpu.memref_slice %arg2[%add3A_104] : memref<640000xf32, #tpu.memory_space<hbm>> -> memref<8000xf32, #tpu.memory_space<hbm>>
        %dma_wait3A_115 = arith.constant 0 : i32
        %dma_wait3A_116 = tpu.memref_slice %arg8[%dma_wait3A_115] : memref<16000xf32, #tpu.memory_space<vmem>> -> memref<8000xf32, #tpu.memory_space<vmem>>
        %dma_wait3A_117 = tpu.memref_slice %arg2[%add3A_104] : memref<640000xf32, #tpu.memory_space<hbm>> -> memref<8000xf32, #tpu.memory_space<hbm>>
        tpu.wait_dma2 semaphore(%run_scoped3A : memref<!tpu.dma_semaphore, #tpu.memory_space<semaphore_mem>>) src(%dma_wait3A_117 : memref<8000xf32, #tpu.memory_space<hbm>>) dst(%dma_wait3A_116 : memref<8000xf32, #tpu.memory_space<vmem>>)
        tpu.yield
      }) : () -> ()
      "tpu.region"() ({
        %run_scoped3A = tpu.sem_alloc : memref<!tpu.dma_semaphore, #tpu.memory_space<semaphore_mem>>
        %dma_start3A_106 = arith.constant 0 : i32
        %dma_start3A_107 = tpu.memref_slice %arg8[%dma_start3A_106] : memref<16000xf32, #tpu.memory_space<vmem>> -> memref<8000xf32, #tpu.memory_space<vmem>>
        %dma_start3A_108 = tpu.memref_slice %arg11[%add3A_104] : memref<640000xf32, #tpu.memory_space<vmem_shared>> -> memref<8000xf32, #tpu.memory_space<vmem_shared>>
        %dma_start3A_109 = tpu.memref_slice %arg11[%add3A_104] : memref<640000xf32, #tpu.memory_space<vmem_shared>> -> memref<8000xf32, #tpu.memory_space<vmem_shared>>
        %dma_start3A_110 = arith.constant 0 : i32
        %dma_start3A_111 = tpu.memref_slice %arg8[%dma_start3A_110] : memref<16000xf32, #tpu.memory_space<vmem>> -> memref<8000xf32, #tpu.memory_space<vmem>>
        tpu.enqueue_dma source(%dma_start3A_111 : memref<8000xf32, #tpu.memory_space<vmem>>) target(%dma_start3A_109 : memref<8000xf32, #tpu.memory_space<vmem_shared>>) target_semaphore(%run_scoped3A : memref<!tpu.dma_semaphore, #tpu.memory_space<semaphore_mem>>)
        %dma_wait3A_112 = arith.constant 0 : i32
        %dma_wait3A_113 = tpu.memref_slice %arg8[%dma_wait3A_112] : memref<16000xf32, #tpu.memory_space<vmem>> -> memref<8000xf32, #tpu.memory_space<vmem>>
        %dma_wait3A_114 = tpu.memref_slice %arg11[%add3A_104] : memref<640000xf32, #tpu.memory_space<vmem_shared>> -> memref<8000xf32, #tpu.memory_space<vmem_shared>>
        %dma_wait3A_115 = tpu.memref_slice %arg11[%add3A_104] : memref<640000xf32, #tpu.memory_space<vmem_shared>> -> memref<8000xf32, #tpu.memory_space<vmem_shared>>
        %dma_wait3A_116 = arith.constant 0 : i32
        %dma_wait3A_117 = tpu.memref_slice %arg8[%dma_wait3A_116] : memref<16000xf32, #tpu.memory_space<vmem>> -> memref<8000xf32, #tpu.memory_space<vmem>>
        tpu.wait_dma2 semaphore(%run_scoped3A : memref<!tpu.dma_semaphore, #tpu.memory_space<semaphore_mem>>) src(%dma_wait3A_117 : memref<8000xf32, #tpu.memory_space<vmem>>) dst(%dma_wait3A_115 : memref<8000xf32, #tpu.memory_space<vmem_shared>>)
        tpu.yield
      }) : () -> ()
      %scan3A_105 = arith.constant 0 : i32
      scf.yield %scan3A_105 : i32
    }
    %scan3A_5 = arith.constant 5 : i32
    %barrier3A = arith.constant 0 : index
    tpu.barrier barrier_id(%barrier3A)
    %mul3A = arith.constant 2 : i32
    %mul3A_6 = arith.muli %arg1, %mul3A : i32
    %add3A = arith.addi %mul3A_6, %arg0 : i32
    %mul3A_7 = arith.constant 3125 : i32
    %mul3A_8 = arith.muli %add3A, %mul3A_7 : i32
    %mul3A_9 = arith.constant 64 : i32
    %mul3A_10 = arith.muli %mul3A_8, %mul3A_9 : i32
    %add3A_11 = arith.constant 0 : i32
    %add3A_12 = arith.addi %mul3A_10, %add3A_11 : i32
    %dma_start3A = arith.constant 0 : i32
    %dma_start3A_13 = tpu.memref_slice %arg6[%dma_start3A] : memref<16000xi32, #tpu.memory_space<vmem>> -> memref<8000xi32, #tpu.memory_space<vmem>>
    %dma_start3A_14 = tpu.memref_slice %arg3[%add3A_12] : memref<6400000xi32, #tpu.memory_space<hbm>> -> memref<8000xi32, #tpu.memory_space<hbm>>
    %dma_start3A_15 = arith.constant 0 : i32
    %dma_start3A_16 = tpu.memref_slice %arg6[%dma_start3A_15] : memref<16000xi32, #tpu.memory_space<vmem>> -> memref<8000xi32, #tpu.memory_space<vmem>>
    %dma_start3A_17 = tpu.memref_slice %arg3[%add3A_12] : memref<6400000xi32, #tpu.memory_space<hbm>> -> memref<8000xi32, #tpu.memory_space<hbm>>
    tpu.enqueue_dma source(%dma_start3A_17 : memref<8000xi32, #tpu.memory_space<hbm>>) target(%dma_start3A_16 : memref<8000xi32, #tpu.memory_space<vmem>>) target_semaphore(%arg16 : memref<!tpu.dma_semaphore, #tpu.memory_space<semaphore_mem>>)
    %dma_start3A_18 = arith.constant 0 : i32
    %dma_start3A_19 = tpu.memref_slice %arg7[%dma_start3A_18] : memref<16000xi32, #tpu.memory_space<vmem>> -> memref<8000xi32, #tpu.memory_space<vmem>>
    %dma_start3A_20 = tpu.memref_slice %arg4[%add3A_12] : memref<6400000xi32, #tpu.memory_space<hbm>> -> memref<8000xi32, #tpu.memory_space<hbm>>
    %dma_start3A_21 = arith.constant 0 : i32
    %dma_start3A_22 = tpu.memref_slice %arg7[%dma_start3A_21] : memref<16000xi32, #tpu.memory_space<vmem>> -> memref<8000xi32, #tpu.memory_space<vmem>>
    %dma_start3A_23 = tpu.memref_slice %arg4[%add3A_12] : memref<6400000xi32, #tpu.memory_space<hbm>> -> memref<8000xi32, #tpu.memory_space<hbm>>
    tpu.enqueue_dma source(%dma_start3A_23 : memref<8000xi32, #tpu.memory_space<hbm>>) target(%dma_start3A_22 : memref<8000xi32, #tpu.memory_space<vmem>>) target_semaphore(%arg16 : memref<!tpu.dma_semaphore, #tpu.memory_space<semaphore_mem>>)
    %add3A_24 = arith.constant 0 : i32
    %add3A_25 = arith.addi %mul3A_10, %add3A_24 : i32
    %dma_wait3A = arith.constant 0 : i32
    %dma_wait3A_26 = tpu.memref_slice %arg6[%dma_wait3A] : memref<16000xi32, #tpu.memory_space<vmem>> -> memref<8000xi32, #tpu.memory_space<vmem>>
    %dma_wait3A_27 = tpu.memref_slice %arg3[%add3A_25] : memref<6400000xi32, #tpu.memory_space<hbm>> -> memref<8000xi32, #tpu.memory_space<hbm>>
    %dma_wait3A_28 = arith.constant 0 : i32
    %dma_wait3A_29 = tpu.memref_slice %arg6[%dma_wait3A_28] : memref<16000xi32, #tpu.memory_space<vmem>> -> memref<8000xi32, #tpu.memory_space<vmem>>
    %dma_wait3A_30 = tpu.memref_slice %arg3[%add3A_25] : memref<6400000xi32, #tpu.memory_space<hbm>> -> memref<8000xi32, #tpu.memory_space<hbm>>
    tpu.wait_dma2 semaphore(%arg16 : memref<!tpu.dma_semaphore, #tpu.memory_space<semaphore_mem>>) src(%dma_wait3A_30 : memref<8000xi32, #tpu.memory_space<hbm>>) dst(%dma_wait3A_29 : memref<8000xi32, #tpu.memory_space<vmem>>)
    %dma_wait3A_31 = arith.constant 0 : i32
    %dma_wait3A_32 = tpu.memref_slice %arg7[%dma_wait3A_31] : memref<16000xi32, #tpu.memory_space<vmem>> -> memref<8000xi32, #tpu.memory_space<vmem>>
    %dma_wait3A_33 = tpu.memref_slice %arg4[%add3A_25] : memref<6400000xi32, #tpu.memory_space<hbm>> -> memref<8000xi32, #tpu.memory_space<hbm>>
    %dma_wait3A_34 = arith.constant 0 : i32
    %dma_wait3A_35 = tpu.memref_slice %arg7[%dma_wait3A_34] : memref<16000xi32, #tpu.memory_space<vmem>> -> memref<8000xi32, #tpu.memory_space<vmem>>
    %dma_wait3A_36 = tpu.memref_slice %arg4[%add3A_25] : memref<6400000xi32, #tpu.memory_space<hbm>> -> memref<8000xi32, #tpu.memory_space<hbm>>
    tpu.wait_dma2 semaphore(%arg16 : memref<!tpu.dma_semaphore, #tpu.memory_space<semaphore_mem>>) src(%dma_wait3A_36 : memref<8000xi32, #tpu.memory_space<hbm>>) dst(%dma_wait3A_35 : memref<8000xi32, #tpu.memory_space<vmem>>)
    %dma_start3A_37 = arith.constant 0 : i32
    %dma_start3A_38 = tpu.memref_slice %arg8[%dma_start3A_37] : memref<16000xf32, #tpu.memory_space<vmem>> -> memref<1200xf32, #tpu.memory_space<vmem>>
    %dma_start3A_39 = arith.constant 0 : i32
    %dma_start3A_40 = tpu.memref_slice %arg6[%dma_start3A_39] : memref<16000xi32, #tpu.memory_space<vmem>> -> memref<1200xi32, #tpu.memory_space<vmem>>
    %dma_start3A_41 = arith.constant 0 : i32
    %dma_start3A_42 = tpu.memref_slice %arg2[%dma_start3A_41] : memref<640000xf32, #tpu.memory_space<hbm>> -> memref<640000xf32, #tpu.memory_space<hbm>>
    tpu.enqueue_indirect_dma source(%dma_start3A_42 : memref<640000xf32, #tpu.memory_space<hbm>>) target(%dma_start3A_38 : memref<1200xf32, #tpu.memory_space<vmem>>) offsets(%dma_start3A_40 : memref<1200xi32, #tpu.memory_space<vmem>>) semaphore(%arg12 : memref<!tpu.dma_semaphore, #tpu.memory_space<semaphore_mem>>)
    %dma_start3A_43 = arith.constant 0 : i32
    %dma_start3A_44 = tpu.memref_slice %arg9[%dma_start3A_43] : memref<16000xf32, #tpu.memory_space<vmem>> -> memref<1200xf32, #tpu.memory_space<vmem>>
    %dma_start3A_45 = arith.constant 0 : i32
    %dma_start3A_46 = tpu.memref_slice %arg7[%dma_start3A_45] : memref<16000xi32, #tpu.memory_space<vmem>> -> memref<1200xi32, #tpu.memory_space<vmem>>
    %dma_start3A_47 = arith.constant 0 : i32
    %dma_start3A_48 = tpu.memref_slice %arg2[%dma_start3A_47] : memref<640000xf32, #tpu.memory_space<hbm>> -> memref<640000xf32, #tpu.memory_space<hbm>>
    tpu.enqueue_indirect_dma source(%dma_start3A_48 : memref<640000xf32, #tpu.memory_space<hbm>>) target(%dma_start3A_44 : memref<1200xf32, #tpu.memory_space<vmem>>) offsets(%dma_start3A_46 : memref<1200xi32, #tpu.memory_space<vmem>>) semaphore(%arg12 : memref<!tpu.dma_semaphore, #tpu.memory_space<semaphore_mem>>)
    %dma_start3A_49 = arith.constant 1200 : i32
    %dma_start3A_50 = tpu.memref_slice %arg8[%dma_start3A_49] : memref<16000xf32, #tpu.memory_space<vmem>> -> memref<6800xf32, #tpu.memory_space<vmem>>
    %dma_start3A_51 = arith.constant 1200 : i32
    %dma_start3A_52 = tpu.memref_slice %arg6[%dma_start3A_51] : memref<16000xi32, #tpu.memory_space<vmem>> -> memref<6800xi32, #tpu.memory_space<vmem>>
    %dma_start3A_53 = arith.constant 0 : i32
    %dma_start3A_54 = tpu.memref_slice %arg11[%dma_start3A_53] : memref<640000xf32, #tpu.memory_space<vmem_shared>> -> memref<640000xf32, #tpu.memory_space<vmem_shared>>
    tpu.enqueue_indirect_dma source(%dma_start3A_54 : memref<640000xf32, #tpu.memory_space<vmem_shared>>) target(%dma_start3A_50 : memref<6800xf32, #tpu.memory_space<vmem>>) offsets(%dma_start3A_52 : memref<6800xi32, #tpu.memory_space<vmem>>) semaphore(%arg14 : memref<!tpu.dma_semaphore, #tpu.memory_space<semaphore_mem>>)
    %dma_start3A_55 = arith.constant 1200 : i32
    %dma_start3A_56 = tpu.memref_slice %arg9[%dma_start3A_55] : memref<16000xf32, #tpu.memory_space<vmem>> -> memref<6800xf32, #tpu.memory_space<vmem>>
    %dma_start3A_57 = arith.constant 1200 : i32
    %dma_start3A_58 = tpu.memref_slice %arg7[%dma_start3A_57] : memref<16000xi32, #tpu.memory_space<vmem>> -> memref<6800xi32, #tpu.memory_space<vmem>>
    %dma_start3A_59 = arith.constant 0 : i32
    %dma_start3A_60 = tpu.memref_slice %arg11[%dma_start3A_59] : memref<640000xf32, #tpu.memory_space<vmem_shared>> -> memref<640000xf32, #tpu.memory_space<vmem_shared>>
    tpu.enqueue_indirect_dma source(%dma_start3A_60 : memref<640000xf32, #tpu.memory_space<vmem_shared>>) target(%dma_start3A_56 : memref<6800xf32, #tpu.memory_space<vmem>>) offsets(%dma_start3A_58 : memref<6800xi32, #tpu.memory_space<vmem>>) semaphore(%arg14 : memref<!tpu.dma_semaphore, #tpu.memory_space<semaphore_mem>>)
    %add3A_61 = arith.constant 8000 : i32
    %add3A_62 = arith.addi %mul3A_10, %add3A_61 : i32
    %dma_start3A_63 = arith.constant 8000 : i32
    %dma_start3A_64 = tpu.memref_slice %arg6[%dma_start3A_63] : memref<16000xi32, #tpu.memory_space<vmem>> -> memref<8000xi32, #tpu.memory_space<vmem>>
    %dma_start3A_65 = tpu.memref_slice %arg3[%add3A_62] : memref<6400000xi32, #tpu.memory_space<hbm>> -> memref<8000xi32, #tpu.memory_space<hbm>>
    %dma_start3A_66 = arith.constant 8000 : i32
    %dma_start3A_67 = tpu.memref_slice %arg6[%dma_start3A_66] : memref<16000xi32, #tpu.memory_space<vmem>> -> memref<8000xi32, #tpu.memory_space<vmem>>
    %dma_start3A_68 = tpu.memref_slice %arg3[%add3A_62] : memref<6400000xi32, #tpu.memory_space<hbm>> -> memref<8000xi32, #tpu.memory_space<hbm>>
    tpu.enqueue_dma source(%dma_start3A_68 : memref<8000xi32, #tpu.memory_space<hbm>>) target(%dma_start3A_67 : memref<8000xi32, #tpu.memory_space<vmem>>) target_semaphore(%arg17 : memref<!tpu.dma_semaphore, #tpu.memory_space<semaphore_mem>>)
    %dma_start3A_69 = arith.constant 8000 : i32
    %dma_start3A_70 = tpu.memref_slice %arg7[%dma_start3A_69] : memref<16000xi32, #tpu.memory_space<vmem>> -> memref<8000xi32, #tpu.memory_space<vmem>>
    %dma_start3A_71 = tpu.memref_slice %arg4[%add3A_62] : memref<6400000xi32, #tpu.memory_space<hbm>> -> memref<8000xi32, #tpu.memory_space<hbm>>
    %dma_start3A_72 = arith.constant 8000 : i32
    %dma_start3A_73 = tpu.memref_slice %arg7[%dma_start3A_72] : memref<16000xi32, #tpu.memory_space<vmem>> -> memref<8000xi32, #tpu.memory_space<vmem>>
    %dma_start3A_74 = tpu.memref_slice %arg4[%add3A_62] : memref<6400000xi32, #tpu.memory_space<hbm>> -> memref<8000xi32, #tpu.memory_space<hbm>>
    tpu.enqueue_dma source(%dma_start3A_74 : memref<8000xi32, #tpu.memory_space<hbm>>) target(%dma_start3A_73 : memref<8000xi32, #tpu.memory_space<vmem>>) target_semaphore(%arg17 : memref<!tpu.dma_semaphore, #tpu.memory_space<semaphore_mem>>)
    %scan3A_75 = arith.constant 0 : i32
    %scan3A_76 = arith.constant 0 : i32
    %scan3A_77 = arith.constant 13 : i32
    %scan3A_78 = arith.addi %scan3A_76, %scan3A_77 : i32
    %scan3A_79 = arith.constant 1 : i32
    %scan3A_80 = scf.for %scan3A_98 = %scan3A_76 to %scan3A_78 step %scan3A_79 iter_args(%scan3A_99 = %scan3A_75) -> (i32)  : i32 {
      %mul3A_100 = arith.constant 2 : i32
      %mul3A_101 = arith.muli %mul3A_100, %scan3A_98 : i32
      %add3A_102 = arith.constant 0 : i32
      %add3A_103 = arith.addi %mul3A_101, %add3A_102 : i32
      %lt3A = arith.constant 25 : i32
      %lt3A_104 = arith.cmpi slt, %add3A_103, %lt3A : i32
      %convert_element_type3A = arith.extui %lt3A_104 : i1 to i32
      %cond3A = arith.constant 0 : i32
      %cond3A_105 = arith.cmpi ne, %convert_element_type3A, %cond3A : i32
      scf.if %cond3A_105 {
        %dma_wait3A_116 = arith.constant 0 : i32
        %dma_wait3A_117 = tpu.memref_slice %arg8[%dma_wait3A_116] : memref<16000xf32, #tpu.memory_space<vmem>> -> memref<1200xf32, #tpu.memory_space<vmem>>
        %dma_wait3A_118 = arith.constant 0 : i32
        %dma_wait3A_119 = tpu.memref_slice %arg6[%dma_wait3A_118] : memref<16000xi32, #tpu.memory_space<vmem>> -> memref<1200xi32, #tpu.memory_space<vmem>>
        %dma_wait3A_120 = arith.constant 0 : i32
        %dma_wait3A_121 = tpu.memref_slice %arg2[%dma_wait3A_120] : memref<640000xf32, #tpu.memory_space<hbm>> -> memref<640000xf32, #tpu.memory_space<hbm>>
        tpu.wait_indirect_dma semaphore(%arg12 : memref<!tpu.dma_semaphore, #tpu.memory_space<semaphore_mem>>) src(%dma_wait3A_121 : memref<640000xf32, #tpu.memory_space<hbm>>) dst(%dma_wait3A_117 : memref<1200xf32, #tpu.memory_space<vmem>>)
        %dma_wait3A_122 = arith.constant 0 : i32
        %dma_wait3A_123 = tpu.memref_slice %arg9[%dma_wait3A_122] : memref<16000xf32, #tpu.memory_space<vmem>> -> memref<1200xf32, #tpu.memory_space<vmem>>
        %dma_wait3A_124 = arith.constant 0 : i32
        %dma_wait3A_125 = tpu.memref_slice %arg7[%dma_wait3A_124] : memref<16000xi32, #tpu.memory_space<vmem>> -> memref<1200xi32, #tpu.memory_space<vmem>>
        %dma_wait3A_126 = arith.constant 0 : i32
        %dma_wait3A_127 = tpu.memref_slice %arg2[%dma_wait3A_126] : memref<640000xf32, #tpu.memory_space<hbm>> -> memref<640000xf32, #tpu.memory_space<hbm>>
        tpu.wait_indirect_dma semaphore(%arg12 : memref<!tpu.dma_semaphore, #tpu.memory_space<semaphore_mem>>) src(%dma_wait3A_127 : memref<640000xf32, #tpu.memory_space<hbm>>) dst(%dma_wait3A_123 : memref<1200xf32, #tpu.memory_space<vmem>>)
        %dma_wait3A_128 = arith.constant 1200 : i32
        %dma_wait3A_129 = tpu.memref_slice %arg8[%dma_wait3A_128] : memref<16000xf32, #tpu.memory_space<vmem>> -> memref<6800xf32, #tpu.memory_space<vmem>>
        %dma_wait3A_130 = arith.constant 1200 : i32
        %dma_wait3A_131 = tpu.memref_slice %arg6[%dma_wait3A_130] : memref<16000xi32, #tpu.memory_space<vmem>> -> memref<6800xi32, #tpu.memory_space<vmem>>
        %dma_wait3A_132 = arith.constant 0 : i32
        %dma_wait3A_133 = tpu.memref_slice %arg11[%dma_wait3A_132] : memref<640000xf32, #tpu.memory_space<vmem_shared>> -> memref<640000xf32, #tpu.memory_space<vmem_shared>>
        tpu.wait_indirect_dma semaphore(%arg14 : memref<!tpu.dma_semaphore, #tpu.memory_space<semaphore_mem>>) src(%dma_wait3A_133 : memref<640000xf32, #tpu.memory_space<vmem_shared>>) dst(%dma_wait3A_129 : memref<6800xf32, #tpu.memory_space<vmem>>)
        %dma_wait3A_134 = arith.constant 1200 : i32
        %dma_wait3A_135 = tpu.memref_slice %arg9[%dma_wait3A_134] : memref<16000xf32, #tpu.memory_space<vmem>> -> memref<6800xf32, #tpu.memory_space<vmem>>
        %dma_wait3A_136 = arith.constant 1200 : i32
        %dma_wait3A_137 = tpu.memref_slice %arg7[%dma_wait3A_136] : memref<16000xi32, #tpu.memory_space<vmem>> -> memref<6800xi32, #tpu.memory_space<vmem>>
        %dma_wait3A_138 = arith.constant 0 : i32
        %dma_wait3A_139 = tpu.memref_slice %arg11[%dma_wait3A_138] : memref<640000xf32, #tpu.memory_space<vmem_shared>> -> memref<640000xf32, #tpu.memory_space<vmem_shared>>
        tpu.wait_indirect_dma semaphore(%arg14 : memref<!tpu.dma_semaphore, #tpu.memory_space<semaphore_mem>>) src(%dma_wait3A_139 : memref<640000xf32, #tpu.memory_space<vmem_shared>>) dst(%dma_wait3A_135 : memref<6800xf32, #tpu.memory_space<vmem>>)
        %add3A_140 = arith.constant 1 : i32
        %add3A_141 = arith.addi %add3A_103, %add3A_140 : i32
        %lt3A_142 = arith.constant 25 : i32
        %lt3A_143 = arith.cmpi slt, %add3A_141, %lt3A_142 : i32
        %convert_element_type3A_144 = arith.extui %lt3A_143 : i1 to i32
        %cond3A_145 = arith.constant 0 : i32
        %cond3A_146 = arith.cmpi ne, %convert_element_type3A_144, %cond3A_145 : i32
        scf.if %cond3A_146 {
          %add3A_174 = arith.constant 1 : i32
          %add3A_175 = arith.addi %add3A_103, %add3A_174 : i32
          %mul3A_176 = arith.constant 8000 : i32
          %mul3A_177 = arith.muli %add3A_175, %mul3A_176 : i32
          %add3A_178 = arith.addi %mul3A_10, %mul3A_177 : i32
          %dma_wait3A_179 = arith.constant 8000 : i32
          %dma_wait3A_180 = tpu.memref_slice %arg6[%dma_wait3A_179] : memref<16000xi32, #tpu.memory_space<vmem>> -> memref<8000xi32, #tpu.memory_space<vmem>>
          %dma_wait3A_181 = tpu.memref_slice %arg3[%add3A_178] : memref<6400000xi32, #tpu.memory_space<hbm>> -> memref<8000xi32, #tpu.memory_space<hbm>>
          %dma_wait3A_182 = arith.constant 8000 : i32
          %dma_wait3A_183 = tpu.memref_slice %arg6[%dma_wait3A_182] : memref<16000xi32, #tpu.memory_space<vmem>> -> memref<8000xi32, #tpu.memory_space<vmem>>
          %dma_wait3A_184 = tpu.memref_slice %arg3[%add3A_178] : memref<6400000xi32, #tpu.memory_space<hbm>> -> memref<8000xi32, #tpu.memory_space<hbm>>
          tpu.wait_dma2 semaphore(%arg17 : memref<!tpu.dma_semaphore, #tpu.memory_space<semaphore_mem>>) src(%dma_wait3A_184 : memref<8000xi32, #tpu.memory_space<hbm>>) dst(%dma_wait3A_183 : memref<8000xi32, #tpu.memory_space<vmem>>)
          %dma_wait3A_185 = arith.constant 8000 : i32
          %dma_wait3A_186 = tpu.memref_slice %arg7[%dma_wait3A_185] : memref<16000xi32, #tpu.memory_space<vmem>> -> memref<8000xi32, #tpu.memory_space<vmem>>
          %dma_wait3A_187 = tpu.memref_slice %arg4[%add3A_178] : memref<6400000xi32, #tpu.memory_space<hbm>> -> memref<8000xi32, #tpu.memory_space<hbm>>
          %dma_wait3A_188 = arith.constant 8000 : i32
          %dma_wait3A_189 = tpu.memref_slice %arg7[%dma_wait3A_188] : memref<16000xi32, #tpu.memory_space<vmem>> -> memref<8000xi32, #tpu.memory_space<vmem>>
          %dma_wait3A_190 = tpu.memref_slice %arg4[%add3A_178] : memref<6400000xi32, #tpu.memory_space<hbm>> -> memref<8000xi32, #tpu.memory_space<hbm>>
          tpu.wait_dma2 semaphore(%arg17 : memref<!tpu.dma_semaphore, #tpu.memory_space<semaphore_mem>>) src(%dma_wait3A_190 : memref<8000xi32, #tpu.memory_space<hbm>>) dst(%dma_wait3A_189 : memref<8000xi32, #tpu.memory_space<vmem>>)
          %dma_start3A_191 = arith.constant 8000 : i32
          %dma_start3A_192 = tpu.memref_slice %arg8[%dma_start3A_191] : memref<16000xf32, #tpu.memory_space<vmem>> -> memref<1200xf32, #tpu.memory_space<vmem>>
          %dma_start3A_193 = arith.constant 8000 : i32
          %dma_start3A_194 = tpu.memref_slice %arg6[%dma_start3A_193] : memref<16000xi32, #tpu.memory_space<vmem>> -> memref<1200xi32, #tpu.memory_space<vmem>>
          %dma_start3A_195 = arith.constant 0 : i32
          %dma_start3A_196 = tpu.memref_slice %arg2[%dma_start3A_195] : memref<640000xf32, #tpu.memory_space<hbm>> -> memref<640000xf32, #tpu.memory_space<hbm>>
          tpu.enqueue_indirect_dma source(%dma_start3A_196 : memref<640000xf32, #tpu.memory_space<hbm>>) target(%dma_start3A_192 : memref<1200xf32, #tpu.memory_space<vmem>>) offsets(%dma_start3A_194 : memref<1200xi32, #tpu.memory_space<vmem>>) semaphore(%arg13 : memref<!tpu.dma_semaphore, #tpu.memory_space<semaphore_mem>>)
          %dma_start3A_197 = arith.constant 8000 : i32
          %dma_start3A_198 = tpu.memref_slice %arg9[%dma_start3A_197] : memref<16000xf32, #tpu.memory_space<vmem>> -> memref<1200xf32, #tpu.memory_space<vmem>>
          %dma_start3A_199 = arith.constant 8000 : i32
          %dma_start3A_200 = tpu.memref_slice %arg7[%dma_start3A_199] : memref<16000xi32, #tpu.memory_space<vmem>> -> memref<1200xi32, #tpu.memory_space<vmem>>
          %dma_start3A_201 = arith.constant 0 : i32
          %dma_start3A_202 = tpu.memref_slice %arg2[%dma_start3A_201] : memref<640000xf32, #tpu.memory_space<hbm>> -> memref<640000xf32, #tpu.memory_space<hbm>>
          tpu.enqueue_indirect_dma source(%dma_start3A_202 : memref<640000xf32, #tpu.memory_space<hbm>>) target(%dma_start3A_198 : memref<1200xf32, #tpu.memory_space<vmem>>) offsets(%dma_start3A_200 : memref<1200xi32, #tpu.memory_space<vmem>>) semaphore(%arg13 : memref<!tpu.dma_semaphore, #tpu.memory_space<semaphore_mem>>)
          %dma_start3A_203 = arith.constant 9200 : i32
          %dma_start3A_204 = tpu.memref_slice %arg8[%dma_start3A_203] : memref<16000xf32, #tpu.memory_space<vmem>> -> memref<6800xf32, #tpu.memory_space<vmem>>
          %dma_start3A_205 = arith.constant 9200 : i32
          %dma_start3A_206 = tpu.memref_slice %arg6[%dma_start3A_205] : memref<16000xi32, #tpu.memory_space<vmem>> -> memref<6800xi32, #tpu.memory_space<vmem>>
          %dma_start3A_207 = arith.constant 0 : i32
          %dma_start3A_208 = tpu.memref_slice %arg11[%dma_start3A_207] : memref<640000xf32, #tpu.memory_space<vmem_shared>> -> memref<640000xf32, #tpu.memory_space<vmem_shared>>
          tpu.enqueue_indirect_dma source(%dma_start3A_208 : memref<640000xf32, #tpu.memory_space<vmem_shared>>) target(%dma_start3A_204 : memref<6800xf32, #tpu.memory_space<vmem>>) offsets(%dma_start3A_206 : memref<6800xi32, #tpu.memory_space<vmem>>) semaphore(%arg15 : memref<!tpu.dma_semaphore, #tpu.memory_space<semaphore_mem>>)
          %dma_start3A_209 = arith.constant 9200 : i32
          %dma_start3A_210 = tpu.memref_slice %arg9[%dma_start3A_209] : memref<16000xf32, #tpu.memory_space<vmem>> -> memref<6800xf32, #tpu.memory_space<vmem>>
          %dma_start3A_211 = arith.constant 9200 : i32
          %dma_start3A_212 = tpu.memref_slice %arg7[%dma_start3A_211] : memref<16000xi32, #tpu.memory_space<vmem>> -> memref<6800xi32, #tpu.memory_space<vmem>>
          %dma_start3A_213 = arith.constant 0 : i32
          %dma_start3A_214 = tpu.memref_slice %arg11[%dma_start3A_213] : memref<640000xf32, #tpu.memory_space<vmem_shared>> -> memref<640000xf32, #tpu.memory_space<vmem_shared>>
          tpu.enqueue_indirect_dma source(%dma_start3A_214 : memref<640000xf32, #tpu.memory_space<vmem_shared>>) target(%dma_start3A_210 : memref<6800xf32, #tpu.memory_space<vmem>>) offsets(%dma_start3A_212 : memref<6800xi32, #tpu.memory_space<vmem>>) semaphore(%arg15 : memref<!tpu.dma_semaphore, #tpu.memory_space<semaphore_mem>>)
        } else {
        }
        %add3A_147 = arith.constant 2 : i32
        %add3A_148 = arith.addi %add3A_103, %add3A_147 : i32
        %lt3A_149 = arith.constant 25 : i32
        %lt3A_150 = arith.cmpi slt, %add3A_148, %lt3A_149 : i32
        %convert_element_type3A_151 = arith.extui %lt3A_150 : i1 to i32
        %cond3A_152 = arith.constant 0 : i32
        %cond3A_153 = arith.cmpi ne, %convert_element_type3A_151, %cond3A_152 : i32
        scf.if %cond3A_153 {
          %add3A_174 = arith.constant 2 : i32
          %add3A_175 = arith.addi %add3A_103, %add3A_174 : i32
          %mul3A_176 = arith.constant 8000 : i32
          %mul3A_177 = arith.muli %add3A_175, %mul3A_176 : i32
          %add3A_178 = arith.addi %mul3A_10, %mul3A_177 : i32
          %dma_start3A_179 = arith.constant 0 : i32
          %dma_start3A_180 = tpu.memref_slice %arg6[%dma_start3A_179] : memref<16000xi32, #tpu.memory_space<vmem>> -> memref<8000xi32, #tpu.memory_space<vmem>>
          %dma_start3A_181 = tpu.memref_slice %arg3[%add3A_178] : memref<6400000xi32, #tpu.memory_space<hbm>> -> memref<8000xi32, #tpu.memory_space<hbm>>
          %dma_start3A_182 = arith.constant 0 : i32
          %dma_start3A_183 = tpu.memref_slice %arg6[%dma_start3A_182] : memref<16000xi32, #tpu.memory_space<vmem>> -> memref<8000xi32, #tpu.memory_space<vmem>>
          %dma_start3A_184 = tpu.memref_slice %arg3[%add3A_178] : memref<6400000xi32, #tpu.memory_space<hbm>> -> memref<8000xi32, #tpu.memory_space<hbm>>
          tpu.enqueue_dma source(%dma_start3A_184 : memref<8000xi32, #tpu.memory_space<hbm>>) target(%dma_start3A_183 : memref<8000xi32, #tpu.memory_space<vmem>>) target_semaphore(%arg16 : memref<!tpu.dma_semaphore, #tpu.memory_space<semaphore_mem>>)
          %dma_start3A_185 = arith.constant 0 : i32
          %dma_start3A_186 = tpu.memref_slice %arg7[%dma_start3A_185] : memref<16000xi32, #tpu.memory_space<vmem>> -> memref<8000xi32, #tpu.memory_space<vmem>>
          %dma_start3A_187 = tpu.memref_slice %arg4[%add3A_178] : memref<6400000xi32, #tpu.memory_space<hbm>> -> memref<8000xi32, #tpu.memory_space<hbm>>
          %dma_start3A_188 = arith.constant 0 : i32
          %dma_start3A_189 = tpu.memref_slice %arg7[%dma_start3A_188] : memref<16000xi32, #tpu.memory_space<vmem>> -> memref<8000xi32, #tpu.memory_space<vmem>>
          %dma_start3A_190 = tpu.memref_slice %arg4[%add3A_178] : memref<6400000xi32, #tpu.memory_space<hbm>> -> memref<8000xi32, #tpu.memory_space<hbm>>
          tpu.enqueue_dma source(%dma_start3A_190 : memref<8000xi32, #tpu.memory_space<hbm>>) target(%dma_start3A_189 : memref<8000xi32, #tpu.memory_space<vmem>>) target_semaphore(%arg16 : memref<!tpu.dma_semaphore, #tpu.memory_space<semaphore_mem>>)
        } else {
        }
        %ge3A = arith.constant 2 : i32
        %ge3A_154 = arith.cmpi sge, %add3A_103, %ge3A : i32
        %convert_element_type3A_155 = arith.extui %ge3A_154 : i1 to i32
        %cond3A_156 = arith.constant 0 : i32
        %cond3A_157 = arith.cmpi ne, %convert_element_type3A_155, %cond3A_156 : i32
        scf.if %cond3A_157 {
          %sub3A = arith.constant 2 : i32
          %sub3A_174 = arith.subi %add3A_103, %sub3A : i32
          %mul3A_175 = arith.constant 8000 : i32
          %mul3A_176 = arith.muli %sub3A_174, %mul3A_175 : i32
          %add3A_177 = arith.addi %mul3A_10, %mul3A_176 : i32
          %dma_wait3A_178 = arith.constant 0 : i32
          %dma_wait3A_179 = tpu.memref_slice %arg10[%dma_wait3A_178] : memref<16000xf32, #tpu.memory_space<vmem>> -> memref<8000xf32, #tpu.memory_space<vmem>>
          %dma_wait3A_180 = tpu.memref_slice %arg5[%add3A_177] : memref<6400000xf32, #tpu.memory_space<hbm>> -> memref<8000xf32, #tpu.memory_space<hbm>>
          %dma_wait3A_181 = tpu.memref_slice %arg5[%add3A_177] : memref<6400000xf32, #tpu.memory_space<hbm>> -> memref<8000xf32, #tpu.memory_space<hbm>>
          %dma_wait3A_182 = arith.constant 0 : i32
          %dma_wait3A_183 = tpu.memref_slice %arg10[%dma_wait3A_182] : memref<16000xf32, #tpu.memory_space<vmem>> -> memref<8000xf32, #tpu.memory_space<vmem>>
          tpu.wait_dma2 semaphore(%arg18 : memref<!tpu.dma_semaphore, #tpu.memory_space<semaphore_mem>>) src(%dma_wait3A_183 : memref<8000xf32, #tpu.memory_space<vmem>>) dst(%dma_wait3A_181 : memref<8000xf32, #tpu.memory_space<hbm>>)
        } else {
        }
        %scan3A_158 = arith.constant 0 : i32
        %scan3A_159 = arith.constant 0 : i32
        %scan3A_160 = arith.constant 125 : i32
        %scan3A_161 = arith.addi %scan3A_159, %scan3A_160 : i32
        %scan3A_162 = arith.constant 1 : i32
        %scan3A_163 = scf.for %scan3A_174 = %scan3A_159 to %scan3A_161 step %scan3A_162 iter_args(%scan3A_175 = %scan3A_158) -> (i32)  : i32 {
          %mul3A_176 = arith.constant 64 : i32
          %mul3A_177 = arith.muli %scan3A_174, %mul3A_176 : i32
          %add3A_178 = arith.constant 0 : i32
          %add3A_179 = arith.addi %add3A_178, %mul3A_177 : i32
          %add3A_180 = arith.constant 0 : i32
          %add3A_181 = arith.addi %add3A_179, %add3A_180 : i32
          %get3A = arith.index_cast %add3A_181 : i32 to index
          %get3A_182 = tpu.vector_load %arg8[%get3A] {strides = array<i32>} : memref<16000xf32, #tpu.memory_space<vmem>>, vector<16xf32>,
          %get3A_183 = vector.shape_cast %get3A_182 : vector<16xf32> to vector<16xf32>
          %get3A_184 = arith.index_cast %add3A_181 : i32 to index
          %get3A_185 = tpu.vector_load %arg9[%get3A_184] {strides = array<i32>} : memref<16000xf32, #tpu.memory_space<vmem>>, vector<16xf32>,
          %get3A_186 = vector.shape_cast %get3A_185 : vector<16xf32> to vector<16xf32>
          %add3A_187 = arith.addf %get3A_183, %get3A_186 : vector<16xf32>
          %swap3A = arith.index_cast %add3A_181 : i32 to index
          %swap3A_188 = tpu.vector_load %arg10[%swap3A] {strides = array<i32>} : memref<16000xf32, #tpu.memory_space<vmem>>, vector<16xf32>,
          %swap3A_189 = vector.shape_cast %swap3A_188 : vector<16xf32> to vector<16xf32>
          %swap3A_190 = vector.shape_cast %add3A_187 : vector<16xf32> to vector<16xf32>
          tpu.vector_store %arg10[%swap3A], %swap3A_190 {strides = array<i32>} : memref<16000xf32, #tpu.memory_space<vmem>>, vector<16xf32>,
          %add3A_191 = arith.constant 16 : i32
          %add3A_192 = arith.addi %add3A_179, %add3A_191 : i32
          %get3A_193 = arith.index_cast %add3A_192 : i32 to index
          %get3A_194 = tpu.vector_load %arg8[%get3A_193] {strides = array<i32>} : memref<16000xf32, #tpu.memory_space<vmem>>, vector<16xf32>,
          %get3A_195 = vector.shape_cast %get3A_194 : vector<16xf32> to vector<16xf32>
          %get3A_196 = arith.index_cast %add3A_192 : i32 to index
          %get3A_197 = tpu.vector_load %arg9[%get3A_196] {strides = array<i32>} : memref<16000xf32, #tpu.memory_space<vmem>>, vector<16xf32>,
          %get3A_198 = vector.shape_cast %get3A_197 : vector<16xf32> to vector<16xf32>
          %add3A_199 = arith.addf %get3A_195, %get3A_198 : vector<16xf32>
          %swap3A_200 = arith.index_cast %add3A_192 : i32 to index
          %swap3A_201 = tpu.vector_load %arg10[%swap3A_200] {strides = array<i32>} : memref<16000xf32, #tpu.memory_space<vmem>>, vector<16xf32>,
          %swap3A_202 = vector.shape_cast %swap3A_201 : vector<16xf32> to vector<16xf32>
          %swap3A_203 = vector.shape_cast %add3A_199 : vector<16xf32> to vector<16xf32>
          tpu.vector_store %arg10[%swap3A_200], %swap3A_203 {strides = array<i32>} : memref<16000xf32, #tpu.memory_space<vmem>>, vector<16xf32>,
          %add3A_204 = arith.constant 32 : i32
          %add3A_205 = arith.addi %add3A_179, %add3A_204 : i32
          %get3A_206 = arith.index_cast %add3A_205 : i32 to index
          %get3A_207 = tpu.vector_load %arg8[%get3A_206] {strides = array<i32>} : memref<16000xf32, #tpu.memory_space<vmem>>, vector<16xf32>,
          %get3A_208 = vector.shape_cast %get3A_207 : vector<16xf32> to vector<16xf32>
          %get3A_209 = arith.index_cast %add3A_205 : i32 to index
          %get3A_210 = tpu.vector_load %arg9[%get3A_209] {strides = array<i32>} : memref<16000xf32, #tpu.memory_space<vmem>>, vector<16xf32>,
          %get3A_211 = vector.shape_cast %get3A_210 : vector<16xf32> to vector<16xf32>
          %add3A_212 = arith.addf %get3A_208, %get3A_211 : vector<16xf32>
          %swap3A_213 = arith.index_cast %add3A_205 : i32 to index
          %swap3A_214 = tpu.vector_load %arg10[%swap3A_213] {strides = array<i32>} : memref<16000xf32, #tpu.memory_space<vmem>>, vector<16xf32>,
          %swap3A_215 = vector.shape_cast %swap3A_214 : vector<16xf32> to vector<16xf32>
          %swap3A_216 = vector.shape_cast %add3A_212 : vector<16xf32> to vector<16xf32>
          tpu.vector_store %arg10[%swap3A_213], %swap3A_216 {strides = array<i32>} : memref<16000xf32, #tpu.memory_space<vmem>>, vector<16xf32>,
          %add3A_217 = arith.constant 48 : i32
          %add3A_218 = arith.addi %add3A_179, %add3A_217 : i32
          %get3A_219 = arith.index_cast %add3A_218 : i32 to index
          %get3A_220 = tpu.vector_load %arg8[%get3A_219] {strides = array<i32>} : memref<16000xf32, #tpu.memory_space<vmem>>, vector<16xf32>,
          %get3A_221 = vector.shape_cast %get3A_220 : vector<16xf32> to vector<16xf32>
          %get3A_222 = arith.index_cast %add3A_218 : i32 to index
          %get3A_223 = tpu.vector_load %arg9[%get3A_222] {strides = array<i32>} : memref<16000xf32, #tpu.memory_space<vmem>>, vector<16xf32>,
          %get3A_224 = vector.shape_cast %get3A_223 : vector<16xf32> to vector<16xf32>
          %add3A_225 = arith.addf %get3A_221, %get3A_224 : vector<16xf32>
          %swap3A_226 = arith.index_cast %add3A_218 : i32 to index
          %swap3A_227 = tpu.vector_load %arg10[%swap3A_226] {strides = array<i32>} : memref<16000xf32, #tpu.memory_space<vmem>>, vector<16xf32>,
          %swap3A_228 = vector.shape_cast %swap3A_227 : vector<16xf32> to vector<16xf32>
          %swap3A_229 = vector.shape_cast %add3A_225 : vector<16xf32> to vector<16xf32>
          tpu.vector_store %arg10[%swap3A_226], %swap3A_229 {strides = array<i32>} : memref<16000xf32, #tpu.memory_space<vmem>>, vector<16xf32>,
          %scan3A_230 = arith.constant 0 : i32
          scf.yield %scan3A_230 : i32
        }
        %scan3A_164 = arith.constant 125 : i32
        %mul3A_165 = arith.constant 8000 : i32
        %mul3A_166 = arith.muli %add3A_103, %mul3A_165 : i32
        %add3A_167 = arith.addi %mul3A_10, %mul3A_166 : i32
        %dma_start3A_168 = arith.constant 0 : i32
        %dma_start3A_169 = tpu.memref_slice %arg10[%dma_start3A_168] : memref<16000xf32, #tpu.memory_space<vmem>> -> memref<8000xf32, #tpu.memory_space<vmem>>
        %dma_start3A_170 = tpu.memref_slice %arg5[%add3A_167] : memref<6400000xf32, #tpu.memory_space<hbm>> -> memref<8000xf32, #tpu.memory_space<hbm>>
        %dma_start3A_171 = tpu.memref_slice %arg5[%add3A_167] : memref<6400000xf32, #tpu.memory_space<hbm>> -> memref<8000xf32, #tpu.memory_space<hbm>>
        %dma_start3A_172 = arith.constant 0 : i32
        %dma_start3A_173 = tpu.memref_slice %arg10[%dma_start3A_172] : memref<16000xf32, #tpu.memory_space<vmem>> -> memref<8000xf32, #tpu.memory_space<vmem>>
        tpu.enqueue_dma source(%dma_start3A_173 : memref<8000xf32, #tpu.memory_space<vmem>>) target(%dma_start3A_171 : memref<8000xf32, #tpu.memory_space<hbm>>) target_semaphore(%arg18 : memref<!tpu.dma_semaphore, #tpu.memory_space<semaphore_mem>>)
      } else {
      }
      %mul3A_106 = arith.constant 2 : i32
      %mul3A_107 = arith.muli %mul3A_106, %scan3A_98 : i32
      %add3A_108 = arith.constant 1 : i32
      %add3A_109 = arith.addi %mul3A_107, %add3A_108 : i32
      %lt3A_110 = arith.constant 25 : i32
      %lt3A_111 = arith.cmpi slt, %add3A_109, %lt3A_110 : i32
      %convert_element_type3A_112 = arith.extui %lt3A_111 : i1 to i32
      %cond3A_113 = arith.constant 0 : i32
      %cond3A_114 = arith.cmpi ne, %convert_element_type3A_112, %cond3A_113 : i32
      scf.if %cond3A_114 {
        %dma_wait3A_116 = arith.constant 8000 : i32
        %dma_wait3A_117 = tpu.memref_slice %arg8[%dma_wait3A_116] : memref<16000xf32, #tpu.memory_space<vmem>> -> memref<1200xf32, #tpu.memory_space<vmem>>
        %dma_wait3A_118 = arith.constant 8000 : i32
        %dma_wait3A_119 = tpu.memref_slice %arg6[%dma_wait3A_118] : memref<16000xi32, #tpu.memory_space<vmem>> -> memref<1200xi32, #tpu.memory_space<vmem>>
        %dma_wait3A_120 = arith.constant 0 : i32
        %dma_wait3A_121 = tpu.memref_slice %arg2[%dma_wait3A_120] : memref<640000xf32, #tpu.memory_space<hbm>> -> memref<640000xf32, #tpu.memory_space<hbm>>
        tpu.wait_indirect_dma semaphore(%arg13 : memref<!tpu.dma_semaphore, #tpu.memory_space<semaphore_mem>>) src(%dma_wait3A_121 : memref<640000xf32, #tpu.memory_space<hbm>>) dst(%dma_wait3A_117 : memref<1200xf32, #tpu.memory_space<vmem>>)
        %dma_wait3A_122 = arith.constant 8000 : i32
        %dma_wait3A_123 = tpu.memref_slice %arg9[%dma_wait3A_122] : memref<16000xf32, #tpu.memory_space<vmem>> -> memref<1200xf32, #tpu.memory_space<vmem>>
        %dma_wait3A_124 = arith.constant 8000 : i32
        %dma_wait3A_125 = tpu.memref_slice %arg7[%dma_wait3A_124] : memref<16000xi32, #tpu.memory_space<vmem>> -> memref<1200xi32, #tpu.memory_space<vmem>>
        %dma_wait3A_126 = arith.constant 0 : i32
        %dma_wait3A_127 = tpu.memref_slice %arg2[%dma_wait3A_126] : memref<640000xf32, #tpu.memory_space<hbm>> -> memref<640000xf32, #tpu.memory_space<hbm>>
        tpu.wait_indirect_dma semaphore(%arg13 : memref<!tpu.dma_semaphore, #tpu.memory_space<semaphore_mem>>) src(%dma_wait3A_127 : memref<640000xf32, #tpu.memory_space<hbm>>) dst(%dma_wait3A_123 : memref<1200xf32, #tpu.memory_space<vmem>>)
        %dma_wait3A_128 = arith.constant 9200 : i32
        %dma_wait3A_129 = tpu.memref_slice %arg8[%dma_wait3A_128] : memref<16000xf32, #tpu.memory_space<vmem>> -> memref<6800xf32, #tpu.memory_space<vmem>>
        %dma_wait3A_130 = arith.constant 9200 : i32
        %dma_wait3A_131 = tpu.memref_slice %arg6[%dma_wait3A_130] : memref<16000xi32, #tpu.memory_space<vmem>> -> memref<6800xi32, #tpu.memory_space<vmem>>
        %dma_wait3A_132 = arith.constant 0 : i32
        %dma_wait3A_133 = tpu.memref_slice %arg11[%dma_wait3A_132] : memref<640000xf32, #tpu.memory_space<vmem_shared>> -> memref<640000xf32, #tpu.memory_space<vmem_shared>>
        tpu.wait_indirect_dma semaphore(%arg15 : memref<!tpu.dma_semaphore, #tpu.memory_space<semaphore_mem>>) src(%dma_wait3A_133 : memref<640000xf32, #tpu.memory_space<vmem_shared>>) dst(%dma_wait3A_129 : memref<6800xf32, #tpu.memory_space<vmem>>)
        %dma_wait3A_134 = arith.constant 9200 : i32
        %dma_wait3A_135 = tpu.memref_slice %arg9[%dma_wait3A_134] : memref<16000xf32, #tpu.memory_space<vmem>> -> memref<6800xf32, #tpu.memory_space<vmem>>
        %dma_wait3A_136 = arith.constant 9200 : i32
        %dma_wait3A_137 = tpu.memref_slice %arg7[%dma_wait3A_136] : memref<16000xi32, #tpu.memory_space<vmem>> -> memref<6800xi32, #tpu.memory_space<vmem>>
        %dma_wait3A_138 = arith.constant 0 : i32
        %dma_wait3A_139 = tpu.memref_slice %arg11[%dma_wait3A_138] : memref<640000xf32, #tpu.memory_space<vmem_shared>> -> memref<640000xf32, #tpu.memory_space<vmem_shared>>
        tpu.wait_indirect_dma semaphore(%arg15 : memref<!tpu.dma_semaphore, #tpu.memory_space<semaphore_mem>>) src(%dma_wait3A_139 : memref<640000xf32, #tpu.memory_space<vmem_shared>>) dst(%dma_wait3A_135 : memref<6800xf32, #tpu.memory_space<vmem>>)
        %add3A_140 = arith.constant 1 : i32
        %add3A_141 = arith.addi %add3A_109, %add3A_140 : i32
        %lt3A_142 = arith.constant 25 : i32
        %lt3A_143 = arith.cmpi slt, %add3A_141, %lt3A_142 : i32
        %convert_element_type3A_144 = arith.extui %lt3A_143 : i1 to i32
        %cond3A_145 = arith.constant 0 : i32
        %cond3A_146 = arith.cmpi ne, %convert_element_type3A_144, %cond3A_145 : i32
        scf.if %cond3A_146 {
          %add3A_174 = arith.constant 1 : i32
          %add3A_175 = arith.addi %add3A_109, %add3A_174 : i32
          %mul3A_176 = arith.constant 8000 : i32
          %mul3A_177 = arith.muli %add3A_175, %mul3A_176 : i32
          %add3A_178 = arith.addi %mul3A_10, %mul3A_177 : i32
          %dma_wait3A_179 = arith.constant 0 : i32
          %dma_wait3A_180 = tpu.memref_slice %arg6[%dma_wait3A_179] : memref<16000xi32, #tpu.memory_space<vmem>> -> memref<8000xi32, #tpu.memory_space<vmem>>
          %dma_wait3A_181 = tpu.memref_slice %arg3[%add3A_178] : memref<6400000xi32, #tpu.memory_space<hbm>> -> memref<8000xi32, #tpu.memory_space<hbm>>
          %dma_wait3A_182 = arith.constant 0 : i32
          %dma_wait3A_183 = tpu.memref_slice %arg6[%dma_wait3A_182] : memref<16000xi32, #tpu.memory_space<vmem>> -> memref<8000xi32, #tpu.memory_space<vmem>>
          %dma_wait3A_184 = tpu.memref_slice %arg3[%add3A_178] : memref<6400000xi32, #tpu.memory_space<hbm>> -> memref<8000xi32, #tpu.memory_space<hbm>>
          tpu.wait_dma2 semaphore(%arg16 : memref<!tpu.dma_semaphore, #tpu.memory_space<semaphore_mem>>) src(%dma_wait3A_184 : memref<8000xi32, #tpu.memory_space<hbm>>) dst(%dma_wait3A_183 : memref<8000xi32, #tpu.memory_space<vmem>>)
          %dma_wait3A_185 = arith.constant 0 : i32
          %dma_wait3A_186 = tpu.memref_slice %arg7[%dma_wait3A_185] : memref<16000xi32, #tpu.memory_space<vmem>> -> memref<8000xi32, #tpu.memory_space<vmem>>
          %dma_wait3A_187 = tpu.memref_slice %arg4[%add3A_178] : memref<6400000xi32, #tpu.memory_space<hbm>> -> memref<8000xi32, #tpu.memory_space<hbm>>
          %dma_wait3A_188 = arith.constant 0 : i32
          %dma_wait3A_189 = tpu.memref_slice %arg7[%dma_wait3A_188] : memref<16000xi32, #tpu.memory_space<vmem>> -> memref<8000xi32, #tpu.memory_space<vmem>>
          %dma_wait3A_190 = tpu.memref_slice %arg4[%add3A_178] : memref<6400000xi32, #tpu.memory_space<hbm>> -> memref<8000xi32, #tpu.memory_space<hbm>>
          tpu.wait_dma2 semaphore(%arg16 : memref<!tpu.dma_semaphore, #tpu.memory_space<semaphore_mem>>) src(%dma_wait3A_190 : memref<8000xi32, #tpu.memory_space<hbm>>) dst(%dma_wait3A_189 : memref<8000xi32, #tpu.memory_space<vmem>>)
          %dma_start3A_191 = arith.constant 0 : i32
          %dma_start3A_192 = tpu.memref_slice %arg8[%dma_start3A_191] : memref<16000xf32, #tpu.memory_space<vmem>> -> memref<1200xf32, #tpu.memory_space<vmem>>
          %dma_start3A_193 = arith.constant 0 : i32
          %dma_start3A_194 = tpu.memref_slice %arg6[%dma_start3A_193] : memref<16000xi32, #tpu.memory_space<vmem>> -> memref<1200xi32, #tpu.memory_space<vmem>>
          %dma_start3A_195 = arith.constant 0 : i32
          %dma_start3A_196 = tpu.memref_slice %arg2[%dma_start3A_195] : memref<640000xf32, #tpu.memory_space<hbm>> -> memref<640000xf32, #tpu.memory_space<hbm>>
          tpu.enqueue_indirect_dma source(%dma_start3A_196 : memref<640000xf32, #tpu.memory_space<hbm>>) target(%dma_start3A_192 : memref<1200xf32, #tpu.memory_space<vmem>>) offsets(%dma_start3A_194 : memref<1200xi32, #tpu.memory_space<vmem>>) semaphore(%arg12 : memref<!tpu.dma_semaphore, #tpu.memory_space<semaphore_mem>>)
          %dma_start3A_197 = arith.constant 0 : i32
          %dma_start3A_198 = tpu.memref_slice %arg9[%dma_start3A_197] : memref<16000xf32, #tpu.memory_space<vmem>> -> memref<1200xf32, #tpu.memory_space<vmem>>
          %dma_start3A_199 = arith.constant 0 : i32
          %dma_start3A_200 = tpu.memref_slice %arg7[%dma_start3A_199] : memref<16000xi32, #tpu.memory_space<vmem>> -> memref<1200xi32, #tpu.memory_space<vmem>>
          %dma_start3A_201 = arith.constant 0 : i32
          %dma_start3A_202 = tpu.memref_slice %arg2[%dma_start3A_201] : memref<640000xf32, #tpu.memory_space<hbm>> -> memref<640000xf32, #tpu.memory_space<hbm>>
          tpu.enqueue_indirect_dma source(%dma_start3A_202 : memref<640000xf32, #tpu.memory_space<hbm>>) target(%dma_start3A_198 : memref<1200xf32, #tpu.memory_space<vmem>>) offsets(%dma_start3A_200 : memref<1200xi32, #tpu.memory_space<vmem>>) semaphore(%arg12 : memref<!tpu.dma_semaphore, #tpu.memory_space<semaphore_mem>>)
          %dma_start3A_203 = arith.constant 1200 : i32
          %dma_start3A_204 = tpu.memref_slice %arg8[%dma_start3A_203] : memref<16000xf32, #tpu.memory_space<vmem>> -> memref<6800xf32, #tpu.memory_space<vmem>>
          %dma_start3A_205 = arith.constant 1200 : i32
          %dma_start3A_206 = tpu.memref_slice %arg6[%dma_start3A_205] : memref<16000xi32, #tpu.memory_space<vmem>> -> memref<6800xi32, #tpu.memory_space<vmem>>
          %dma_start3A_207 = arith.constant 0 : i32
          %dma_start3A_208 = tpu.memref_slice %arg11[%dma_start3A_207] : memref<640000xf32, #tpu.memory_space<vmem_shared>> -> memref<640000xf32, #tpu.memory_space<vmem_shared>>
          tpu.enqueue_indirect_dma source(%dma_start3A_208 : memref<640000xf32, #tpu.memory_space<vmem_shared>>) target(%dma_start3A_204 : memref<6800xf32, #tpu.memory_space<vmem>>) offsets(%dma_start3A_206 : memref<6800xi32, #tpu.memory_space<vmem>>) semaphore(%arg14 : memref<!tpu.dma_semaphore, #tpu.memory_space<semaphore_mem>>)
          %dma_start3A_209 = arith.constant 1200 : i32
          %dma_start3A_210 = tpu.memref_slice %arg9[%dma_start3A_209] : memref<16000xf32, #tpu.memory_space<vmem>> -> memref<6800xf32, #tpu.memory_space<vmem>>
          %dma_start3A_211 = arith.constant 1200 : i32
          %dma_start3A_212 = tpu.memref_slice %arg7[%dma_start3A_211] : memref<16000xi32, #tpu.memory_space<vmem>> -> memref<6800xi32, #tpu.memory_space<vmem>>
          %dma_start3A_213 = arith.constant 0 : i32
          %dma_start3A_214 = tpu.memref_slice %arg11[%dma_start3A_213] : memref<640000xf32, #tpu.memory_space<vmem_shared>> -> memref<640000xf32, #tpu.memory_space<vmem_shared>>
          tpu.enqueue_indirect_dma source(%dma_start3A_214 : memref<640000xf32, #tpu.memory_space<vmem_shared>>) target(%dma_start3A_210 : memref<6800xf32, #tpu.memory_space<vmem>>) offsets(%dma_start3A_212 : memref<6800xi32, #tpu.memory_space<vmem>>) semaphore(%arg14 : memref<!tpu.dma_semaphore, #tpu.memory_space<semaphore_mem>>)
        } else {
        }
        %add3A_147 = arith.constant 2 : i32
        %add3A_148 = arith.addi %add3A_109, %add3A_147 : i32
        %lt3A_149 = arith.constant 25 : i32
        %lt3A_150 = arith.cmpi slt, %add3A_148, %lt3A_149 : i32
        %convert_element_type3A_151 = arith.extui %lt3A_150 : i1 to i32
        %cond3A_152 = arith.constant 0 : i32
        %cond3A_153 = arith.cmpi ne, %convert_element_type3A_151, %cond3A_152 : i32
        scf.if %cond3A_153 {
          %add3A_174 = arith.constant 2 : i32
          %add3A_175 = arith.addi %add3A_109, %add3A_174 : i32
          %mul3A_176 = arith.constant 8000 : i32
          %mul3A_177 = arith.muli %add3A_175, %mul3A_176 : i32
          %add3A_178 = arith.addi %mul3A_10, %mul3A_177 : i32
          %dma_start3A_179 = arith.constant 8000 : i32
          %dma_start3A_180 = tpu.memref_slice %arg6[%dma_start3A_179] : memref<16000xi32, #tpu.memory_space<vmem>> -> memref<8000xi32, #tpu.memory_space<vmem>>
          %dma_start3A_181 = tpu.memref_slice %arg3[%add3A_178] : memref<6400000xi32, #tpu.memory_space<hbm>> -> memref<8000xi32, #tpu.memory_space<hbm>>
          %dma_start3A_182 = arith.constant 8000 : i32
          %dma_start3A_183 = tpu.memref_slice %arg6[%dma_start3A_182] : memref<16000xi32, #tpu.memory_space<vmem>> -> memref<8000xi32, #tpu.memory_space<vmem>>
          %dma_start3A_184 = tpu.memref_slice %arg3[%add3A_178] : memref<6400000xi32, #tpu.memory_space<hbm>> -> memref<8000xi32, #tpu.memory_space<hbm>>
          tpu.enqueue_dma source(%dma_start3A_184 : memref<8000xi32, #tpu.memory_space<hbm>>) target(%dma_start3A_183 : memref<8000xi32, #tpu.memory_space<vmem>>) target_semaphore(%arg17 : memref<!tpu.dma_semaphore, #tpu.memory_space<semaphore_mem>>)
          %dma_start3A_185 = arith.constant 8000 : i32
          %dma_start3A_186 = tpu.memref_slice %arg7[%dma_start3A_185] : memref<16000xi32, #tpu.memory_space<vmem>> -> memref<8000xi32, #tpu.memory_space<vmem>>
          %dma_start3A_187 = tpu.memref_slice %arg4[%add3A_178] : memref<6400000xi32, #tpu.memory_space<hbm>> -> memref<8000xi32, #tpu.memory_space<hbm>>
          %dma_start3A_188 = arith.constant 8000 : i32
          %dma_start3A_189 = tpu.memref_slice %arg7[%dma_start3A_188] : memref<16000xi32, #tpu.memory_space<vmem>> -> memref<8000xi32, #tpu.memory_space<vmem>>
          %dma_start3A_190 = tpu.memref_slice %arg4[%add3A_178] : memref<6400000xi32, #tpu.memory_space<hbm>> -> memref<8000xi32, #tpu.memory_space<hbm>>
          tpu.enqueue_dma source(%dma_start3A_190 : memref<8000xi32, #tpu.memory_space<hbm>>) target(%dma_start3A_189 : memref<8000xi32, #tpu.memory_space<vmem>>) target_semaphore(%arg17 : memref<!tpu.dma_semaphore, #tpu.memory_space<semaphore_mem>>)
        } else {
        }
        %ge3A = arith.constant 2 : i32
        %ge3A_154 = arith.cmpi sge, %add3A_109, %ge3A : i32
        %convert_element_type3A_155 = arith.extui %ge3A_154 : i1 to i32
        %cond3A_156 = arith.constant 0 : i32
        %cond3A_157 = arith.cmpi ne, %convert_element_type3A_155, %cond3A_156 : i32
        scf.if %cond3A_157 {
          %sub3A = arith.constant 2 : i32
          %sub3A_174 = arith.subi %add3A_109, %sub3A : i32
          %mul3A_175 = arith.constant 8000 : i32
          %mul3A_176 = arith.muli %sub3A_174, %mul3A_175 : i32
          %add3A_177 = arith.addi %mul3A_10, %mul3A_176 : i32
          %dma_wait3A_178 = arith.constant 8000 : i32
          %dma_wait3A_179 = tpu.memref_slice %arg10[%dma_wait3A_178] : memref<16000xf32, #tpu.memory_space<vmem>> -> memref<8000xf32, #tpu.memory_space<vmem>>
          %dma_wait3A_180 = tpu.memref_slice %arg5[%add3A_177] : memref<6400000xf32, #tpu.memory_space<hbm>> -> memref<8000xf32, #tpu.memory_space<hbm>>
          %dma_wait3A_181 = tpu.memref_slice %arg5[%add3A_177] : memref<6400000xf32, #tpu.memory_space<hbm>> -> memref<8000xf32, #tpu.memory_space<hbm>>
          %dma_wait3A_182 = arith.constant 8000 : i32
          %dma_wait3A_183 = tpu.memref_slice %arg10[%dma_wait3A_182] : memref<16000xf32, #tpu.memory_space<vmem>> -> memref<8000xf32, #tpu.memory_space<vmem>>
          tpu.wait_dma2 semaphore(%arg19 : memref<!tpu.dma_semaphore, #tpu.memory_space<semaphore_mem>>) src(%dma_wait3A_183 : memref<8000xf32, #tpu.memory_space<vmem>>) dst(%dma_wait3A_181 : memref<8000xf32, #tpu.memory_space<hbm>>)
        } else {
        }
        %scan3A_158 = arith.constant 0 : i32
        %scan3A_159 = arith.constant 0 : i32
        %scan3A_160 = arith.constant 125 : i32
        %scan3A_161 = arith.addi %scan3A_159, %scan3A_160 : i32
        %scan3A_162 = arith.constant 1 : i32
        %scan3A_163 = scf.for %scan3A_174 = %scan3A_159 to %scan3A_161 step %scan3A_162 iter_args(%scan3A_175 = %scan3A_158) -> (i32)  : i32 {
          %mul3A_176 = arith.constant 64 : i32
          %mul3A_177 = arith.muli %scan3A_174, %mul3A_176 : i32
          %add3A_178 = arith.constant 8000 : i32
          %add3A_179 = arith.addi %add3A_178, %mul3A_177 : i32
          %add3A_180 = arith.constant 0 : i32
          %add3A_181 = arith.addi %add3A_179, %add3A_180 : i32
          %get3A = arith.index_cast %add3A_181 : i32 to index
          %get3A_182 = tpu.vector_load %arg8[%get3A] {strides = array<i32>} : memref<16000xf32, #tpu.memory_space<vmem>>, vector<16xf32>,
          %get3A_183 = vector.shape_cast %get3A_182 : vector<16xf32> to vector<16xf32>
          %get3A_184 = arith.index_cast %add3A_181 : i32 to index
          %get3A_185 = tpu.vector_load %arg9[%get3A_184] {strides = array<i32>} : memref<16000xf32, #tpu.memory_space<vmem>>, vector<16xf32>,
          %get3A_186 = vector.shape_cast %get3A_185 : vector<16xf32> to vector<16xf32>
          %add3A_187 = arith.addf %get3A_183, %get3A_186 : vector<16xf32>
          %swap3A = arith.index_cast %add3A_181 : i32 to index
          %swap3A_188 = tpu.vector_load %arg10[%swap3A] {strides = array<i32>} : memref<16000xf32, #tpu.memory_space<vmem>>, vector<16xf32>,
          %swap3A_189 = vector.shape_cast %swap3A_188 : vector<16xf32> to vector<16xf32>
          %swap3A_190 = vector.shape_cast %add3A_187 : vector<16xf32> to vector<16xf32>
          tpu.vector_store %arg10[%swap3A], %swap3A_190 {strides = array<i32>} : memref<16000xf32, #tpu.memory_space<vmem>>, vector<16xf32>,
          %add3A_191 = arith.constant 16 : i32
          %add3A_192 = arith.addi %add3A_179, %add3A_191 : i32
          %get3A_193 = arith.index_cast %add3A_192 : i32 to index
          %get3A_194 = tpu.vector_load %arg8[%get3A_193] {strides = array<i32>} : memref<16000xf32, #tpu.memory_space<vmem>>, vector<16xf32>,
          %get3A_195 = vector.shape_cast %get3A_194 : vector<16xf32> to vector<16xf32>
          %get3A_196 = arith.index_cast %add3A_192 : i32 to index
          %get3A_197 = tpu.vector_load %arg9[%get3A_196] {strides = array<i32>} : memref<16000xf32, #tpu.memory_space<vmem>>, vector<16xf32>,
          %get3A_198 = vector.shape_cast %get3A_197 : vector<16xf32> to vector<16xf32>
          %add3A_199 = arith.addf %get3A_195, %get3A_198 : vector<16xf32>
          %swap3A_200 = arith.index_cast %add3A_192 : i32 to index
          %swap3A_201 = tpu.vector_load %arg10[%swap3A_200] {strides = array<i32>} : memref<16000xf32, #tpu.memory_space<vmem>>, vector<16xf32>,
          %swap3A_202 = vector.shape_cast %swap3A_201 : vector<16xf32> to vector<16xf32>
          %swap3A_203 = vector.shape_cast %add3A_199 : vector<16xf32> to vector<16xf32>
          tpu.vector_store %arg10[%swap3A_200], %swap3A_203 {strides = array<i32>} : memref<16000xf32, #tpu.memory_space<vmem>>, vector<16xf32>,
          %add3A_204 = arith.constant 32 : i32
          %add3A_205 = arith.addi %add3A_179, %add3A_204 : i32
          %get3A_206 = arith.index_cast %add3A_205 : i32 to index
          %get3A_207 = tpu.vector_load %arg8[%get3A_206] {strides = array<i32>} : memref<16000xf32, #tpu.memory_space<vmem>>, vector<16xf32>,
          %get3A_208 = vector.shape_cast %get3A_207 : vector<16xf32> to vector<16xf32>
          %get3A_209 = arith.index_cast %add3A_205 : i32 to index
          %get3A_210 = tpu.vector_load %arg9[%get3A_209] {strides = array<i32>} : memref<16000xf32, #tpu.memory_space<vmem>>, vector<16xf32>,
          %get3A_211 = vector.shape_cast %get3A_210 : vector<16xf32> to vector<16xf32>
          %add3A_212 = arith.addf %get3A_208, %get3A_211 : vector<16xf32>
          %swap3A_213 = arith.index_cast %add3A_205 : i32 to index
          %swap3A_214 = tpu.vector_load %arg10[%swap3A_213] {strides = array<i32>} : memref<16000xf32, #tpu.memory_space<vmem>>, vector<16xf32>,
          %swap3A_215 = vector.shape_cast %swap3A_214 : vector<16xf32> to vector<16xf32>
          %swap3A_216 = vector.shape_cast %add3A_212 : vector<16xf32> to vector<16xf32>
          tpu.vector_store %arg10[%swap3A_213], %swap3A_216 {strides = array<i32>} : memref<16000xf32, #tpu.memory_space<vmem>>, vector<16xf32>,
          %add3A_217 = arith.constant 48 : i32
          %add3A_218 = arith.addi %add3A_179, %add3A_217 : i32
          %get3A_219 = arith.index_cast %add3A_218 : i32 to index
          %get3A_220 = tpu.vector_load %arg8[%get3A_219] {strides = array<i32>} : memref<16000xf32, #tpu.memory_space<vmem>>, vector<16xf32>,
          %get3A_221 = vector.shape_cast %get3A_220 : vector<16xf32> to vector<16xf32>
          %get3A_222 = arith.index_cast %add3A_218 : i32 to index
          %get3A_223 = tpu.vector_load %arg9[%get3A_222] {strides = array<i32>} : memref<16000xf32, #tpu.memory_space<vmem>>, vector<16xf32>,
          %get3A_224 = vector.shape_cast %get3A_223 : vector<16xf32> to vector<16xf32>
          %add3A_225 = arith.addf %get3A_221, %get3A_224 : vector<16xf32>
          %swap3A_226 = arith.index_cast %add3A_218 : i32 to index
          %swap3A_227 = tpu.vector_load %arg10[%swap3A_226] {strides = array<i32>} : memref<16000xf32, #tpu.memory_space<vmem>>, vector<16xf32>,
          %swap3A_228 = vector.shape_cast %swap3A_227 : vector<16xf32> to vector<16xf32>
          %swap3A_229 = vector.shape_cast %add3A_225 : vector<16xf32> to vector<16xf32>
          tpu.vector_store %arg10[%swap3A_226], %swap3A_229 {strides = array<i32>} : memref<16000xf32, #tpu.memory_space<vmem>>, vector<16xf32>,
          %scan3A_230 = arith.constant 0 : i32
          scf.yield %scan3A_230 : i32
        }
        %scan3A_164 = arith.constant 125 : i32
        %mul3A_165 = arith.constant 8000 : i32
        %mul3A_166 = arith.muli %add3A_109, %mul3A_165 : i32
        %add3A_167 = arith.addi %mul3A_10, %mul3A_166 : i32
        %dma_start3A_168 = arith.constant 8000 : i32
        %dma_start3A_169 = tpu.memref_slice %arg10[%dma_start3A_168] : memref<16000xf32, #tpu.memory_space<vmem>> -> memref<8000xf32, #tpu.memory_space<vmem>>
        %dma_start3A_170 = tpu.memref_slice %arg5[%add3A_167] : memref<6400000xf32, #tpu.memory_space<hbm>> -> memref<8000xf32, #tpu.memory_space<hbm>>
        %dma_start3A_171 = tpu.memref_slice %arg5[%add3A_167] : memref<6400000xf32, #tpu.memory_space<hbm>> -> memref<8000xf32, #tpu.memory_space<hbm>>
        %dma_start3A_172 = arith.constant 8000 : i32
        %dma_start3A_173 = tpu.memref_slice %arg10[%dma_start3A_172] : memref<16000xf32, #tpu.memory_space<vmem>> -> memref<8000xf32, #tpu.memory_space<vmem>>
        tpu.enqueue_dma source(%dma_start3A_173 : memref<8000xf32, #tpu.memory_space<vmem>>) target(%dma_start3A_171 : memref<8000xf32, #tpu.memory_space<hbm>>) target_semaphore(%arg19 : memref<!tpu.dma_semaphore, #tpu.memory_space<semaphore_mem>>)
      } else {
      }
      %scan3A_115 = arith.constant 0 : i32
      scf.yield %scan3A_115 : i32
    }
    %scan3A_81 = arith.constant 13 : i32
    %add3A_82 = arith.constant 184000 : i32
    %add3A_83 = arith.addi %mul3A_10, %add3A_82 : i32
    %dma_wait3A_84 = arith.constant 8000 : i32
    %dma_wait3A_85 = tpu.memref_slice %arg10[%dma_wait3A_84] : memref<16000xf32, #tpu.memory_space<vmem>> -> memref<8000xf32, #tpu.memory_space<vmem>>
    %dma_wait3A_86 = tpu.memref_slice %arg5[%add3A_83] : memref<6400000xf32, #tpu.memory_space<hbm>> -> memref<8000xf32, #tpu.memory_space<hbm>>
    %dma_wait3A_87 = tpu.memref_slice %arg5[%add3A_83] : memref<6400000xf32, #tpu.memory_space<hbm>> -> memref<8000xf32, #tpu.memory_space<hbm>>
    %dma_wait3A_88 = arith.constant 8000 : i32
    %dma_wait3A_89 = tpu.memref_slice %arg10[%dma_wait3A_88] : memref<16000xf32, #tpu.memory_space<vmem>> -> memref<8000xf32, #tpu.memory_space<vmem>>
    tpu.wait_dma2 semaphore(%arg19 : memref<!tpu.dma_semaphore, #tpu.memory_space<semaphore_mem>>) src(%dma_wait3A_89 : memref<8000xf32, #tpu.memory_space<vmem>>) dst(%dma_wait3A_87 : memref<8000xf32, #tpu.memory_space<hbm>>)
    %add3A_90 = arith.constant 192000 : i32
    %add3A_91 = arith.addi %mul3A_10, %add3A_90 : i32
    %dma_wait3A_92 = arith.constant 0 : i32
    %dma_wait3A_93 = tpu.memref_slice %arg10[%dma_wait3A_92] : memref<16000xf32, #tpu.memory_space<vmem>> -> memref<8000xf32, #tpu.memory_space<vmem>>
    %dma_wait3A_94 = tpu.memref_slice %arg5[%add3A_91] : memref<6400000xf32, #tpu.memory_space<hbm>> -> memref<8000xf32, #tpu.memory_space<hbm>>
    %dma_wait3A_95 = tpu.memref_slice %arg5[%add3A_91] : memref<6400000xf32, #tpu.memory_space<hbm>> -> memref<8000xf32, #tpu.memory_space<hbm>>
    %dma_wait3A_96 = arith.constant 0 : i32
    %dma_wait3A_97 = tpu.memref_slice %arg10[%dma_wait3A_96] : memref<16000xf32, #tpu.memory_space<vmem>> -> memref<8000xf32, #tpu.memory_space<vmem>>
    tpu.wait_dma2 semaphore(%arg18 : memref<!tpu.dma_semaphore, #tpu.memory_space<semaphore_mem>>) src(%dma_wait3A_97 : memref<8000xf32, #tpu.memory_space<vmem>>) dst(%dma_wait3A_95 : memref<8000xf32, #tpu.memory_space<hbm>>)
    return
  }
}

</mosaic_0001>

<sc_bundles>
// kernel: kernel.4.cloned.1.call-start
scs
__scs_entry_jumppad:
0x0: {  	(pc) =	sbr.rel $0x88, $3  }
0x1: {  	(tag) =	ssettag $0x0;
	lr =	simm.s32 $0x1  }
0x2: {  	[smem:$0x3F9D] =	sst lr;
	_ =	strace $0xD0000000  }
0x3: {  	_ = 	snop  }
0x4: {  	_ = 	snop  }
0x5: {  	_ = 	snop  }
0x6: {  	_ = 	snop  }
0x7: {  	_ = 	snop  }
__scs_overlays_trampoline_lowered:
0x8: {  	[smem:$0x3FAC] =	sst s0  }
0x9: {  	[smem:$0x3FAD] =	sst s1  }
0xa: {  	[smem:$0x3FAE] =	sst s2  }
0xb: {  	[smem:$0x3FAF] =	sst s3  }
0xc: {  	[smem:$0x3FB0] =	sst s4  }
0xd: {  	[smem:$0x3FB1] =	sst s5  }
0xe: {  	[smem:$0x3FB2] =	sst s6  }
0xf: {  	[smem:$0x3FB3] =	sst s7  }
0x10: {  	[smem:$0x3FB4] =	sst s8  }
0x11: {  	[smem:$0x3FB5] =	sst s9;
	s0 =	simm.s32 @!p0 $0x0  }
0x12: {  	s1 =	sld [smem:$0x3F9B];
	s0 =	simm.s32 @p0 $0x1  }
0x13: {  	[smem:$0x3FB6] =	sst s0;
	s0 =	simm.s32 @!p1 $0x0  }
0x14: {  	s2 =	sld [smem:$0x3F9A];
	s0 =	simm.s32 @p1 $0x1  }
0x15: {  	[smem:$0x3FB7] =	sst s0;
	s0 =	simm.s32 @!p2 $0x0  }
0x16: {  	s3 =	sld [smem:$0x3FDB];
	s0 =	simm.s32 @p2 $0x1  }
0x17: {  	s4 =	simm.s32 $0x1BF5;
	[smem:$0x3FB9] =	sst s0  }
0x18: {  	s0 =	sld [smem:$0x3F9C];
	_ =	swait.ge [sflag:s4], $0x0  }
0x19: {  	s7 =	sld [smem:$0x3F9D]  }
0x1a: {  	s8 =	sadd.s32 $0xFFFFE003, lr  }
0x1b: {  	s9 =	sadd.s32 $0xFFFFFEF7, lr;
	s5 =	simm.s32 $0xFFFFFFFF;
	p2 =	slt.u32 s8, $0xFFFFF086  }
0x1c: {  	p1 =	slt.u32 s9, $0xF7A;
	s5 =	simm.s32 @!p2 $0x0  }
0x1d: {  	s5 =	simm.s32 @p1 $0x1;
	p0 =	seq.s32 s7, s2  }
0x1e: {  	s7 =	smul.u32 @!p0 $0xF7A, s2;
	p2 =	seq.s32 @!p0 s5, $0x0  }
0x1f: {  	s9 =	smul.u32 $0xF7A, s1;
	s8 =	simm.s32 @!p0 $0x1BF5;
	p2 =	por !p2, p0  }
0x20: {  	[sflag:s8] =	ssyncset.s32 @!p0 $0xFFFFF086;
	s6 =	sadd.s32 @!p0 s3, s7;
	s7 =	simm.s32 @!p0 $0x108  }
0x21: {  	s3 =	sadd.s32 s3, s9;
	s6 =	sadd.s32 @!p0 $0x88, s6;
	s7 =	simm.s32 @p2 $0x1082  }
0x22: {  	[simem:s7], [sflag:s8] =	dma.local @!p0 [hbm:s6], $0xF7A  }
0x23: {  	s9 =	sor.u32 $0xD0000000, s2;
	s6 =	simm.s32 $0x108;
	_ =	swait.ge @!p0 [sflag:s8], $0x0  }
0x24: {  	s3 =	sadd.s32 $0x88, s3;
	s6 =	simm.s32 @!p1 $0x1082;
	[sflag:s4] =	ssyncset.s32 $0xFFFFF086  }
0x25: {  	[simem:s6], [sflag:s4] =	dma.local [hbm:s3], $0xF7A  }
0x26: {  	[smem:$0x3F9D] =	sst s1;
	(tag) =	ssettag s2;
	_ =	strace s9  }
0x27: {  	s1 =	sld [smem:$0x3FAD]  }
0x28: {  	s2 =	sld [smem:$0x3FAE]  }
0x29: {  	s4 =	sld [smem:$0x3FB0]  }
0x2a: {  	p0 =	seq.s32 s5, $0x0;
	s5 =	sld [smem:$0x3FB1]  }
0x2b: {  	s6 =	sld [smem:$0x3FB2]  }
0x2c: {  	s7 =	sld [smem:$0x3FB3]  }
0x2d: {  	s3 =	simm.s32 $0x108;
	s8 =	sld [smem:$0x3FB4]  }
0x2e: {  	s3 =	simm.s32 @!p0 $0x1082;
	s9 =	sld [smem:$0x3FB5]  }
0x2f: {  	lr =	sadd.s32 s0, s3;
	s0 =	sld [smem:$0x3FAC]  }
0x30: {  	s3 =	sld [smem:$0x3FAF]  }
0x31: {  	[smem:$0x3FB8] =	sst s10  }
0x32: {  	s10 =	sld [smem:$0x3FB6];
	_ =	sdelay $0x3  }
0x33: {  	p0 =	seq.s32 s10, $0x1;
	s10 =	sld [smem:$0x3FB8];
	_ =	sdelay $0x3  }
0x34: {  	[smem:$0x3FB8] =	sst s10  }
0x35: {  	s10 =	sld [smem:$0x3FB7];
	_ =	sdelay $0x3  }
0x36: {  	p1 =	seq.s32 s10, $0x1;
	s10 =	sld [smem:$0x3FB8];
	_ =	sdelay $0x3  }
0x37: {  	[smem:$0x3FB8] =	sst s10  }
0x38: {  	s10 =	sld [smem:$0x3FB9]  }
0x39: {  	_ = 	snop;
	(pc) =	sbr.ind lr, $3  }
0x3a: {  	_ = 	snop  }
0x3b: {  	_ = 	snop  }
0x3c: {  	p2 =	seq.s32 s10, $0x1;
	s10 =	sld [smem:$0x3FB8]  }
0x3d: {  	_ =	shalt  }
0x3e: {  	_ =	shalt  }
0x3f: {  	_ =	shalt  }
0x40: {  	_ =	shalt  }
0x41: {  	_ =	shalt  }
0x42: {  	_ =	shalt  }
0x43: {  	_ =	shalt  }
0x44: {  	_ =	shalt  }
0x45: {  	_ =	shalt  }
0x46: {  	_ =	shalt  }
0x47: {  	_ =	shalt  }
0x48: {  	_ =	shalt  }
0x49: {  	_ =	shalt  }
0x4a: {  	_ =	shalt  }
0x4b: {  	_ =	shalt  }
0x4c: {  	_ =	shalt  }
0x4d: {  	_ =	shalt  }
0x4e: {  	_ =	shalt  }
0x4f: {  	_ =	shalt  }
0x50: {  	_ =	shalt  }
0x51: {  	_ =	shalt  }
0x52: {  	_ =	shalt  }
0x53: {  	_ =	shalt  }
0x54: {  	_ =	shalt  }
0x55: {  	_ =	shalt  }
0x56: {  	_ =	shalt  }
0x57: {  	_ =	shalt  }
0x58: {  	_ =	shalt  }
0x59: {  	_ =	shalt  }
0x5a: {  	_ =	shalt  }
0x5b: {  	_ =	shalt  }
0x5c: {  	_ =	shalt  }
0x5d: {  	_ =	shalt  }
0x5e: {  	_ =	shalt  }
0x5f: {  	_ =	shalt  }
0x60: {  	_ =	shalt  }
0x61: {  	_ =	shalt  }
0x62: {  	_ =	shalt  }
0x63: {  	_ =	shalt  }
0x64: {  	_ =	shalt  }
0x65: {  	_ =	shalt  }
0x66: {  	_ =	shalt  }
0x67: {  	_ =	shalt  }
0x68: {  	_ =	shalt  }
0x69: {  	_ =	shalt  }
0x6a: {  	_ =	shalt  }
0x6b: {  	_ =	shalt  }
0x6c: {  	_ =	shalt  }
0x6d: {  	_ =	shalt  }
0x6e: {  	_ =	shalt  }
0x6f: {  	_ =	shalt  }
0x70: {  	_ =	shalt  }
0x71: {  	_ =	shalt  }
0x72: {  	_ =	shalt  }
0x73: {  	_ =	shalt  }
0x74: {  	_ =	shalt  }
0x75: {  	_ =	shalt  }
0x76: {  	_ =	shalt  }
0x77: {  	_ =	shalt  }
0x78: {  	_ =	shalt  }
0x79: {  	_ =	shalt  }
0x7a: {  	_ =	shalt  }
0x7b: {  	_ =	shalt  }
0x7c: {  	_ =	shalt  }
0x7d: {  	_ =	shalt  }
0x7e: {  	_ =	shalt  }
0x7f: {  	_ =	shalt  }
0x80: {  	_ =	shalt  }
0x81: {  	_ =	shalt  }
0x82: {  	_ =	shalt  }
0x83: {  	_ =	shalt  }
0x84: {  	_ =	shalt  }
0x85: {  	_ =	shalt  }
0x86: {  	_ =	shalt  }
0x87: {  	_ =	shalt  }
.Lfunc_end0:
.L_simem_size_0:
called_computation_lowered:
.L_overlay_start_0:
0x88: {  	s2 =	sld [smem:$0x3FD9]  }
0x89: {  	s3 =	sld [smem:$0x3FFE];
	_ =	sdelay $0x1  }
0x8a: {  	s1 =	srdreg.scid  }
0x8b: {  	s0 =	sand.u32 $0x1, s1  }
0x8c: {  	s17 =	sshll.u32 s0, $0xA;
	s2 =	sadd.s32 s3, s2  }
0x8d: {  	s2 =	sadd.s32 s2, s17  }
0x8e: {  	[smem:$0x3FC4] =	sst s2  }
0x8f: {  	_ = 	snop  }
0x90: {  	s2 =	sld [smem:$0x3FC8];
	(tm) =	ssettm $0x1  }
0x91: {  	s18 =	sld [smem:$0x3FFB];
	_ =	sdelay $0x3  }
0x92: {  	_ =	strace s18  }
0x93: {  	s3 =	sld [smem:$0x3FFC];
	_ =	sdelay $0x3  }
0x94: {  	_ =	strace s3  }
0x95: {  	s3 =	sld [smem:$0x3FFD];
	_ =	sdelay $0x3  }
0x96: {  	_ =	strace s3  }
0x97: {  	_ =	strace $0x8FFFFFFF  }
0x98: {  	s19 =	sld [smem:$0x3FDB];
	_ =	sdelay $0x1  }
0x99: {  	s4 =	simm.s32 $_scs_section_size  }
0x9a: {  	s5 =	simm.s32 $_size__tile_overlayer_lowered;
	s6 =	simm.s32 $_tile_overlayer_lowered  }
0x9b: {  	s22 =	simm.s32 $0x1BFF;
	s21 =	sshll.u32 s6, $0x1;
	s3 =	sadd.s32 s4, s19  }
0x9c: {  	s7 =	simm.s32 $0x0;
	s20 =	sshll.u32 s5, $0x1;
	s5 =	sadd.s32 s21, s3  }
0x9d: {  	[timem:s7], [sflag:s22] =	dma.local [hbm:s5], s20  }
0x9e: {  	_ =	swait.ge [sflag:s22], s20  }
0x9f: {  	s4 =	ssub.s32 $0x0, s20;
	[sflag:s22] =	ssyncset.done $0x0  }
0xa0: {  	[sflag:s22] =	ssyncadd.s32 s4;
	_ =	sdelay $0x1  }
0xa1: {  	s23 =	simm.s32 $0x1B8B  }
0xa2: {  	_ =	swait.ge [sflag:s23], $0x1  }
0xa3: {  	[sflag:s23] =	ssyncset.done $0x0  }
0xa4: {  	s25 =	simm.s32 $0x1B8E;
	s24 =	sld [smem:$0x3FFE];
	[sflag:s23] =	ssyncadd.s32 $0xFFFFFFFF  }
0xa5: {  	s26 =	simm.s32 $execute0_lowered;
	[smem:$0x3FD2] =	sst s25  }
0xa6: {  	s5 =	sshll.u32 s26, $0x1;
	_ =	strace $0x80000046;
	[dreg:$0x1] =	wrdreg $0xFFFFFFFF  }
0xa7: {  	s28 =	simm.s32 $_size_execute0_lowered;
	s3 =	sadd.s32 s3, s5;
	[dreg:$0x0] =	wrdreg $0x0  }
0xa8: {  	s5 =	sshll.u32 s28, $0x1;
	[dreg:$0x2] =	wrdreg s3  }
0xa9: {  	[dreg:$0x3] =	wrdreg s5  }
0xaa: {  	[dreg:$0x4] =	wrdreg $0xC0  }
0xab: {  	_ =	task [dreg:s7], $0x5FFFF  }
0xac: {  	[dreg:$0x1] =	wrdreg $0xFFFFFFFF  }
0xad: {  	[dreg:$0x0] =	wrdreg $0x60  }
0xae: {  	[dreg:$0x2] =	wrdreg s2  }
0xaf: {  	[dreg:$0x3] =	wrdreg s24  }
0xb0: {  	[dreg:$0x4] =	wrdreg $0x138800  }
0xb1: {  	[dreg:$0x5] =	wrdreg $0x9  }
0xb2: {  	_ =	task.clear_ibuf [dreg:s7], $0x6FFFF;
	_ =	strace $0x90000046  }
0xb3: {  	s29 =	simm.s32 $0x9;
	_ =	strace $0x80000048  }
0xb4: {  	_ =	swait.ge [sflag:s29], $0x1  }
0xb5: {  	[sflag:s29] =	ssyncadd.s32 $0xFFFFFFFF  }
0xb6: {  	_ =	strace $0x90000048  }
0xb7: {  	_ =	sfence  }
0xb8: {  	s30 =	sld [smem:$0x0];
	_ =	sdelay $0x2  }
0xb9: {  	s31 =	sshll.u32 s1, $0xD;
	s1 =	sshrl.u32 s1, $0x2  }
0xba: {  	s3 =	sand.u32 $0x4000, s31;
	s1 =	sadd.s32 s1, s30  }
0xbb: {  	s0 =	sor.u32 s3, s0;
	s1 =	sshll.u32 s1, $0x11  }
0xbc: {  	s0 =	sor.u32 s1, s0  }
0xbd: {  	s0 =	sadd.s32 $0x8F2B, s0  }
0xbe: {  	[sflag:s0] =	ssyncadd.remote.s32 $0x1  }
0xbf: {  	_ =	sfence.sel $0xFFFF  }
0xc0: {  	[dreg:$0x0] =	wrdreg $0xFFFFFFFF;
	(pc) =	sbr.abs _section_cstart, $3  }
0xc1: {  	[dreg:$0x1] =	wrdreg $0xFFFFFFFF  }
0xc2: {  	_ =	task.clear_ibuf [dreg:s7], $0x2FFFF;
	_ =	strace $0x9FFFFFFF  }
0xc3: {  	(tm) =	ssettm $0x7FFFFFFF  }
tec
execute0_lowered:
.L_overlay_start_1:
0x0: {  	(tag) =	ssettag $0x1  }
0x1: {  	s1 =	rddreg [dreg:$0x0]  }
0x2: {  	s0 =	rddreg [dreg:$0x1]  }
0x3: {  	s3 =	rddreg [dreg:$0x2];
	s4 =	simm.s32 $0x0;
	s2 =	srdreg.scid  }
0x4: {  	s9 =	stileid.u32;
	s28 =	simm.s32 $0x9;
	s29 =	simm.s32 $0x3E80  }
0x5: {  	s30 =	simm.s32 $0x5;
	s31 =	simm.s32 $0x4B0;
	[smem:$0x7FF] =	sst s4  }
0x6: {  	s2 =	sand.u32 $0x1, s2;
	s5 =	sshll.u32 s9, $0x1;
	s7 =	sadd.s32 $0x189000, s0  }
0x7: {  	s8 =	sadd.s32 $0x2600, s0;
	s23 =	smul.u32 $0x9C40, s9;
	_ =	strace $0x80000047  }
0x8: {  	s6 =	sor.u32 s2, s5;
	s5 =	sadd.s32 $0x24C600, s0;
	s2 =	ssub.s32 $0x2, s2  }
0x9: {  	s6 =	smul.u32 $0x30D40, s6;
	s22 =	sshrl.u32 s2, $0x1;
	s11 =	sshrl.u32 s23, $0x3  }
0xa: {  	s12 =	sadd.s32 $0x1F40, s23;
	s17 =	sadd.s32 s23, s3;
	s18 =	sadd.s32 $0x3E80, s23  }
0xb: {  	s21 =	sadd.s32 $0x5DC0, s23;
	s0 =	ssub.s32 s2, s22;
	s15 =	sadd.s32 s1, s11  }
0xc: {  	s16 =	sshrl.u32 s12, $0x3;
	[dreg:$0xa] =	wrdreg s17;
	s19 =	sadd.s32 s12, s3  }
0xd: {  	s20 =	sshrl.u32 s18, $0x3;
	s22 =	sshrl.u32 s21, $0x3;
	s2 =	sadd.s32 $0x7D00, s23  }
0xe: {  	s11 =	simm.s32 $0xC030;
	s12 =	simm.s32 $0x1;
	s17 =	simm.s32 $0x2  }
0xf: {  	s24 =	sshrl.u32 s6, $0x3;
	s13 =	sadd.s32 $0x3E80, s6;
	[dreg:$0x9] =	wrdreg s15  }
0x10: {  	s14 =	sadd.s32 $0x5DC0, s6;
	s0 =	smax.u32 s0, $0x1;
	[dreg:$0xc] =	wrdreg s19  }
0x11: {  	s23 =	sadd.s32 s1, s22;
	s15 =	simm.s32 $0x3;
	[dreg:$0x8] =	wrdreg s0  }
0x12: {  	s19 =	simm.s32 $0x0;
	s10 =	sadd.s32 s5, s24;
	[dreg:$0xf] =	wrdreg s23  }
0x13: {  	s25 =	sadd.s32 s7, s24;
	s9 =	sadd.s32 $0x3E8, s24;
	[dreg:$0x4] =	wrdreg s10  }
0x14: {  	s0 =	sadd.s32 s1, s16;
	s24 =	sshrl.u32 s2, $0x3;
	[dreg:$0x5] =	wrdreg s25  }
0x15: {  	s16 =	simm.s32 $0xFA00;
	s26 =	sadd.s32 s5, s9;
	[dreg:$0xb] =	wrdreg s0  }
0x16: {  	s9 =	sadd.s32 s7, s9;
	s0 =	sadd.s32 s18, s3;
	[dreg:$0x6] =	wrdreg s26  }
0x17: {  	s25 =	sadd.s32 s21, s3;
	s10 =	simm.s32 $0x4330;
	[dreg:$0x7] =	wrdreg s9  }
.Ltmp0:
0x18: {  	s18 =	simm.s32 $0x4;
	[dreg:$0xe] =	wrdreg s0;
	(pc) =	sbr.rel .LBB2_1-.Ltmp0, $4  }
0x19: {  	s21 =	simm.s32 $0x7;
	s9 =	sadd.s32 s1, s20;
	[dreg:$0x10] =	wrdreg s25  }
0x1a: {  	s0 =	sadd.s32 s1, s24;
	s26 =	sadd.s32 s2, s3;
	[dreg:$0xd] =	wrdreg s9  }
0x1b: {  	s2 =	simm.s32 $0x1A90;
	s20 =	simm.s32 $0x8;
	[dreg:$0x11] =	wrdreg s0  }
0x1c: {  	[dreg:$0x12] =	wrdreg s26;
	s26 =	simm.s32 $0x7D00;
	s9 =	simm.s32 $0x81B0  }
.LBB2_9:
0x1d: {  	_ =	swait.ge [sflag:s20], $0x1F40  }
0x1e: {  	[sflag:s20] =	ssyncset.done $0x0  }
0x1f: {  	[sflag:s20] =	ssyncadd.s32 $0xFFFFE0C0  }
0x20: {  	_ =	swait.ge [sflag:s21], $0x1F40  }
0x21: {  	s19 =	rddreg [dreg:$0x13]  }
0x22: {  	s0 =	rddreg [dreg:$0x8];
	s19 =	sadd.s32 $0x1, s19  }
0x23: {  	p0 =	sne.s32 s19, s0  }
.Ltmp1:
0x24: {  	_ = 	snop;
	(pc) =	sbr.rel @!p0 .LBB2_10-.Ltmp1, $3  }
0x25: {  	_ =	sdelay $0x1  }
0x26: {  	[sflag:s21] =	ssyncset.done $0x0  }
0x27: {  	[sflag:s21] =	ssyncadd.s32 $0xFFFFE0C0  }
.LBB2_1:
0x28: {  	[dreg:$0x13] =	wrdreg s19  }
0x29: {  	s0 =	rddreg [dreg:$0x9]  }
0x2a: {  	[tilespmem:s26], [sflag:$0x9] =	stream.linear.gather [hbm4b:s0+s4], $0x1F40, $0x38;
	[tilespmem:$0x1D4C0] =	vst v63  }
0x2b: {  	_ =	swait.ge [sflag:s28], $0x1F40  }
0x2c: {  	[sflag:s28] =	ssyncset.done $0x0  }
0x2d: {  	s25 =	rddreg [dreg:$0xa];
	[sflag:s28] =	ssyncadd.s32 $0xFFFFE0C0  }
0x2e: {  	[spmem:s25] =	stream.linear.scatter [tilespmem:s26], [sflag:$0x9], $0x1F40, $0x38;
	[tilespmem:$0x1D4C0] =	vst v63  }
0x2f: {  	_ =	swait.ge [sflag:s28], $0x1F40  }
0x30: {  	[sflag:s28] =	ssyncset.done $0x0  }
0x31: {  	s19 =	rddreg [dreg:$0xb];
	[sflag:s28] =	ssyncadd.s32 $0xFFFFE0C0  }
0x32: {  	[tilespmem:s26], [sflag:$0x9] =	stream.linear.gather [hbm4b:s19+s4], $0x1F40, $0x38;
	[tilespmem:$0x1D4C0] =	vst v63  }
0x33: {  	_ =	swait.ge [sflag:s28], $0x1F40  }
0x34: {  	[sflag:s28] =	ssyncset.done $0x0  }
0x35: {  	s22 =	rddreg [dreg:$0xc];
	[sflag:s28] =	ssyncadd.s32 $0xFFFFE0C0  }
0x36: {  	[spmem:s22] =	stream.linear.scatter [tilespmem:s26], [sflag:$0x9], $0x1F40, $0x38;
	[tilespmem:$0x1D4C0] =	vst v63  }
0x37: {  	_ =	swait.ge [sflag:s28], $0x1F40  }
0x38: {  	[sflag:s28] =	ssyncset.done $0x0  }
0x39: {  	s23 =	rddreg [dreg:$0xd];
	[sflag:s28] =	ssyncadd.s32 $0xFFFFE0C0  }
0x3a: {  	[tilespmem:s26], [sflag:$0x9] =	stream.linear.gather [hbm4b:s23+s4], $0x1F40, $0x38;
	[tilespmem:$0x1D4C0] =	vst v63  }
0x3b: {  	_ =	swait.ge [sflag:s28], $0x1F40  }
0x3c: {  	[sflag:s28] =	ssyncset.done $0x0  }
0x3d: {  	s24 =	rddreg [dreg:$0xe];
	[sflag:s28] =	ssyncadd.s32 $0xFFFFE0C0  }
0x3e: {  	[spmem:s24] =	stream.linear.scatter [tilespmem:s26], [sflag:$0x9], $0x1F40, $0x38;
	[tilespmem:$0x1D4C0] =	vst v63  }
0x3f: {  	_ =	swait.ge [sflag:s28], $0x1F40  }
0x40: {  	[sflag:s28] =	ssyncset.done $0x0  }
0x41: {  	s25 =	rddreg [dreg:$0xf];
	[sflag:s28] =	ssyncadd.s32 $0xFFFFE0C0  }
0x42: {  	[tilespmem:s26], [sflag:$0x9] =	stream.linear.gather [hbm4b:s25+s4], $0x1F40, $0x38;
	[tilespmem:$0x1D4C0] =	vst v63  }
0x43: {  	_ =	swait.ge [sflag:s28], $0x1F40  }
0x44: {  	[sflag:s28] =	ssyncset.done $0x0  }
0x45: {  	s19 =	rddreg [dreg:$0x10];
	[sflag:s28] =	ssyncadd.s32 $0xFFFFE0C0  }
0x46: {  	[spmem:s19] =	stream.linear.scatter [tilespmem:s26], [sflag:$0x9], $0x1F40, $0x38;
	[tilespmem:$0x1D4C0] =	vst v63  }
0x47: {  	_ =	swait.ge [sflag:s28], $0x1F40  }
0x48: {  	[sflag:s28] =	ssyncset.done $0x0  }
0x49: {  	s22 =	rddreg [dreg:$0x11];
	[sflag:s28] =	ssyncadd.s32 $0xFFFFE0C0  }
0x4a: {  	[tilespmem:s26], [sflag:$0x9] =	stream.linear.gather [hbm4b:s22+s4], $0x1F40, $0x38;
	[tilespmem:$0x1D4C0] =	vst v63  }
0x4b: {  	_ =	swait.ge [sflag:s28], $0x1F40  }
0x4c: {  	[sflag:s28] =	ssyncset.done $0x0  }
0x4d: {  	s23 =	rddreg [dreg:$0x12];
	[sflag:s28] =	ssyncadd.s32 $0xFFFFE0C0  }
0x4e: {  	[spmem:s23] =	stream.linear.scatter [tilespmem:s26], [sflag:$0x9], $0x1F40, $0x38;
	[tilespmem:$0x1D4C0] =	vst v63  }
0x4f: {  	_ =	swait.ge [sflag:s28], $0x1F40  }
0x50: {  	[sflag:s28] =	ssyncset.done $0x0  }
0x51: {  	[sflag:s28] =	ssyncadd.s32 $0xFFFFE0C0  }
0x52: {  	[bflag:$0x0] =	sbarrier.arrive $0xFFFF  }
0x53: {  	s24 =	rddreg [dreg:$0x4]  }
0x54: {  	[tilespmem:s4], [sflag:$0x5] =	stream.linear.gather [hbm4b:s24+s4], $0x1F40, $0x38;
	[tilespmem:$0x1D4C0] =	vst v63  }
0x55: {  	s25 =	rddreg [dreg:$0x5]  }
0x56: {  	[tilespmem:s29], [sflag:$0x5] =	stream.linear.gather [hbm4b:s25+s4], $0x1F40, $0x38;
	[tilespmem:$0x1D4C0] =	vst v63  }
0x57: {  	_ =	swait.ge [sflag:s30], $0x1F40  }
0x58: {  	[sflag:s30] =	ssyncset.done $0x0  }
0x59: {  	[sflag:s30] =	ssyncadd.s32 $0xFFFFE0C0  }
0x5a: {  	_ =	swait.ge [sflag:s30], $0x1F40  }
0x5b: {  	[sflag:s30] =	ssyncset.done $0x0  }
0x5c: {  	[sflag:s30] =	ssyncadd.s32 $0xFFFFE0C0  }
0x5d: {  	[tilespmem:s26], [sflag:$0x1] =	stream.indirect.gather [hbm4b:s1+s31], $0x1, s4, s31, $0xb8;
	[tilespmem:$0x1D4C0] =	vst v63  }
0x5e: {  	s19 =	simm.s32 $0xBB80  }
0x5f: {  	[tilespmem:s19], [sflag:$0x1] =	stream.indirect.gather [hbm4b:s1+s31], $0x1, s29, s31, $0xb8;
	[tilespmem:$0x1D4C0] =	vst v63  }
0x60: {  	_ = 	snop  }
0x61: {  	[tilespmem:s9], [sflag:$0x3] =	stream.indirect.gather [spmem:s3], $0x1, s31, s2, $0xb8;
	[tilespmem:$0x1D4C0] =	vst v63  }
0x62: {  	_ = 	snop  }
0x63: {  	[tilespmem:s11], [sflag:$0x3] =	stream.indirect.gather [spmem:s3], $0x1, s10, s2, $0xb8;
	[tilespmem:$0x1D4C0] =	vst v63  }
.Ltmp2:
0x64: {  	_ = 	snop;
	(pc) =	sbr.rel .LBB2_2-.Ltmp2, $4  }
0x65: {  	s23 =	simm.s32 $0x1F40;
	s22 =	rddreg [dreg:$0x6]  }
0x66: {  	[tilespmem:s23], [sflag:$0x6] =	stream.linear.gather [hbm4b:s22+s4], $0x1F40, $0x38;
	[tilespmem:$0x1D4C0] =	vst v63  }
0x67: {  	s25 =	simm.s32 $0x5DC0;
	s24 =	rddreg [dreg:$0x7];
	s23 =	simm.s32 $0x0  }
0x68: {  	[tilespmem:s25], [sflag:$0x6] =	stream.linear.gather [hbm4b:s24+s4], $0x1F40, $0x38;
	[tilespmem:$0x1D4C0] =	vst v63  }
.LBB2_8:
0x69: {  	s23 =	sadd.s32 $0x1, s23  }
0x6a: {  	p0 =	sne.s32 s23, $0xD  }
.Ltmp3:
0x6b: {  	_ = 	snop;
	(pc) =	sbr.rel @!p0 .LBB2_9-.Ltmp3, $1  }
0x6c: {  	_ =	sdelay $0x3  }
.LBB2_2:
0x6d: {  	_ =	swait.ge [sflag:s12], $0x4B0  }
0x6e: {  	[sflag:s12] =	ssyncset.done $0x0  }
0x6f: {  	[sflag:s12] =	ssyncadd.s32 $0xFFFFFB50  }
0x70: {  	_ =	swait.ge [sflag:s12], $0x4B0  }
0x71: {  	[sflag:s12] =	ssyncset.done $0x0  }
0x72: {  	[sflag:s12] =	ssyncadd.s32 $0xFFFFFB50  }
0x73: {  	_ =	swait.ge [sflag:s15], $0x1A90  }
0x74: {  	[sflag:s15] =	ssyncset.done $0x0  }
0x75: {  	[sflag:s15] =	ssyncadd.s32 $0xFFFFE570  }
0x76: {  	s24 =	sshllo.u32 s23, $0x1;
	_ =	swait.ge [sflag:s15], $0x1A90  }
0x77: {  	p0 =	sgt.u32 s24, $0x18;
	[sflag:s15] =	ssyncset.done $0x0  }
0x78: {  	s19 =	simm.s32 @!p0 $0x6;
	[sflag:s15] =	ssyncadd.s32 $0xFFFFE570  }
0x79: {  	_ =	swait.ge @!p0 [sflag:s19], $0x1F40  }
0x7a: {  	[sflag:s19] =	ssyncset.done @!p0 $0x0  }
0x7b: {  	[sflag:s19] =	ssyncadd.s32 @!p0 $0xFFFFE0C0  }
0x7c: {  	p1 =	seq.s32 s23, $0xC;
	_ =	swait.ge @!p0 [sflag:s19], $0x1F40  }
0x7d: {  	s0 =	smul.u32 @!p1 $0x3E80, s23;
	s22 =	simm.s32 @!p0 $0x1F40;
	[sflag:s19] =	ssyncset.done @!p0 $0x0  }
0x7e: {  	s25 =	simm.s32 @!p0 $0x9C40;
	[sflag:s19] =	ssyncadd.s32 @!p0 $0xFFFFE0C0;
	s19 =	simm.s32 @!p0 $0x4B0  }
0x7f: {  	[tilespmem:s25], [sflag:$0x2] =	stream.indirect.gather @!p0 [hbm4b:s1+s19], $0x1, s22, s19, $0xb8;
	[tilespmem:$0x1D4C0] =	vst v63  }
0x80: {  	s0 =	sadd.s32 @!p1 s0, s13;
	s22 =	simm.s32 @!p0 $0x5DC0;
	s25 =	simm.s32 @!p0 $0xDAC0  }
0x81: {  	[tilespmem:s25], [sflag:$0x2] =	stream.indirect.gather @!p0 [hbm4b:s1+s19], $0x1, s22, s19, $0xb8;
	[tilespmem:$0x1D4C0] =	vst v63  }
0x82: {  	s19 =	simm.s32 @!p0 $0x1A90;
	s22 =	simm.s32 @!p0 $0x23F0;
	s25 =	simm.s32 @!p0 $0xA0F0  }
0x83: {  	[tilespmem:s25], [sflag:$0x4] =	stream.indirect.gather @!p0 [spmem:s3], $0x1, s22, s19, $0xb8;
	[tilespmem:$0x1D4C0] =	vst v63  }
0x84: {  	s0 =	sshrl.u32 @!p1 s0, $0x3;
	s22 =	simm.s32 @!p0 $0x6270;
	s25 =	simm.s32 @!p0 $0xDF70  }
0x85: {  	[tilespmem:s25], [sflag:$0x4] =	stream.indirect.gather @!p0 [spmem:s3], $0x1, s22, s19, $0xb8;
	[tilespmem:$0x1D4C0] =	vst v63  }
0x86: {  	s19 =	sadd.s32 @!p1 s5, s0;
	s22 =	simm.s32 @!p1 $0x0  }
0x87: {  	[tilespmem:s22], [sflag:$0x5] =	stream.linear.gather @!p1 [hbm4b:s19+s22], $0x1F40, $0x38;
	[tilespmem:$0x1D4C0] =	vst v63  }
0x88: {  	p2 =	seq.s32 @!p1 s23, $0x0;
	s0 =	sadd.s32 @!p1 s7, s0;
	s19 =	simm.s32 @!p1 $0x3E80  }
0x89: {  	[tilespmem:s19], [sflag:$0x5] =	stream.linear.gather @!p1 [hbm4b:s0+s22], $0x1F40, $0x38;
	[tilespmem:$0x1D4C0] =	vst v63  }
0x8a: {  	p1 =	por p1, !p2  }
0x8b: {  	_ =	swait.ge @p1 [sflag:s21], $0x1F40  }
0x8c: {  	[sflag:s21] =	ssyncset.done @p1 $0x0  }
0x8d: {  	s22 =	simm.s32 $0x0;
	[sflag:s21] =	ssyncadd.s32 @p1 $0xFFFFE0C0  }
0x8e: {  	v2 =	vld [tilespmem:s22+$0x7D30]  }
0x8f: {  	v4 =	vld [tilespmem:s22+$0xBBB0]  }
0x90: {  	v5 =	vld [tilespmem:s22+$0x7D00]  }
0x91: {  	v6 =	vld [tilespmem:s22+$0xBB80]  }
0x92: {  	v1 =	vld [tilespmem:s22+$0x7D10]  }
0x93: {  	v3 =	vld [tilespmem:s22+$0xBB90]  }
0x94: {  	v0 =	vld [tilespmem:s22+$0x7D20];
	v7 =	vadd.f32 v4, v2  }
0x95: {  	s25 =	simm.s32 $0x40;
	v4 =	vld [tilespmem:s22+$0xBBA0]  }
0x96: {  	s19 =	simm.s32 $0x200;
	v2 =	vld [tilespmem:s25+$0x7D30];
	v5 =	vadd.f32 v6, v5;
	[tilespmem:s22+$0xFA30] =	vst v7  }
.LBB2_3:
0x97: {  	p1 =	sne.s32 s19, $0x7C00;
	v6 =	vld [tilespmem:s25+$0xBBB0]  }
0x98: {  	v7 =	vld [tilespmem:s25+$0x7D00];
	[tilespmem:s22+$0xFA00] =	vst v5;
	v3 =	vadd.f32 v3, v1  }
0x99: {  	v5 =	vld [tilespmem:s25+$0xBB80]  }
.Ltmp4:
0x9a: {  	v1 =	vld [tilespmem:s25+$0x7D10];
	[tilespmem:s22+$0xFA10] =	vst v3;
	v4 =	vadd.f32 v4, v0;
	(pc) =	sbr.rel @p1 .LBB2_3-.Ltmp4, $4  }
0x9b: {  	v3 =	vld [tilespmem:s25+$0xBB90]  }
0x9c: {  	v0 =	vld [tilespmem:s25+$0x7D20];
	v6 =	vadd.f32 v6, v2;
	[tilespmem:s22+$0xFA20] =	vst v4;
	s22 =	smov.u32 s25  }
0x9d: {  	s25 =	sshra.s32 s19, $0x2;
	v4 =	vld [tilespmem:s22+$0xBBA0]  }
0x9e: {  	s19 =	sadd.s32 $0x100, s19;
	v2 =	vld [tilespmem:s25+$0x7D30];
	v5 =	vadd.f32 v5, v7;
	[tilespmem:s22+$0xFA30] =	vst v6  }
0x9f: {  	v6 =	vld [tilespmem:s25+$0xBBB0]  }
0xa0: {  	v7 =	vld [tilespmem:s25+$0x7D00];
	[tilespmem:s22+$0xFA00] =	vst v5;
	v1 =	vadd.f32 v3, v1  }
0xa1: {  	v62 =	vld [tilespmem:s25+$0xBB80]  }
0xa2: {  	v5 =	vld [tilespmem:s25+$0x7D10];
	[tilespmem:s22+$0xFA10] =	vst v1;
	v0 =	vadd.f32 v4, v0  }
0xa3: {  	v1 =	vld [tilespmem:s25+$0xBB90]  }
0xa4: {  	v63 =	vld [tilespmem:s25+$0x7D20];
	[tilespmem:s22+$0xFA20] =	vst v0  }
0xa5: {  	v0 =	vld [tilespmem:s25+$0xBBA0];
	_ =	sdelay $0x1  }
0xa6: {  	v2 =	vadd.f32 v6, v2  }
0xa7: {  	s22 =	smul.u32 $0x3E80, s23;
	v3 =	vadd.f32 v62, v7  }
.Ltmp5:
0xa8: {  	[tilespmem:s25+$0xFA30] =	vst v2;
	v1 =	vadd.f32 v1, v5;
	(pc) =	sbr.rel @p0 .LBB2_8-.Ltmp5, $4  }
0xa9: {  	s0 =	sadd.s32 s6, s22;
	[tilespmem:s25+$0xFA00] =	vst v3;
	v0 =	vadd.f32 v0, v63  }
0xaa: {  	s0 =	sshrl.u32 s0, $0x3;
	[tilespmem:s25+$0xFA10] =	vst v1  }
0xab: {  	s0 =	sadd.s32 s8, s0;
	[tilespmem:s25+$0xFA20] =	vst v0  }
0xac: {  	[hbm4b:s0+s4] =	stream.linear.scatter [tilespmem:s16], [sflag:$0x7], $0x1F40, $0x38;
	[tilespmem:$0x1D4C0] =	vst v63  }
0xad: {  	_ =	swait.ge [sflag:s17], $0x4B0  }
0xae: {  	[sflag:s17] =	ssyncset.done $0x0  }
0xaf: {  	[sflag:s17] =	ssyncadd.s32 $0xFFFFFB50  }
0xb0: {  	_ =	swait.ge [sflag:s17], $0x4B0  }
0xb1: {  	[sflag:s17] =	ssyncset.done $0x0  }
0xb2: {  	[sflag:s17] =	ssyncadd.s32 $0xFFFFFB50  }
0xb3: {  	_ =	swait.ge [sflag:s18], $0x1A90  }
0xb4: {  	[sflag:s18] =	ssyncset.done $0x0  }
0xb5: {  	[sflag:s18] =	ssyncadd.s32 $0xFFFFE570  }
0xb6: {  	_ =	swait.ge [sflag:s18], $0x1A90  }
0xb7: {  	[sflag:s18] =	ssyncset.done $0x0  }
0xb8: {  	[sflag:s18] =	ssyncadd.s32 $0xFFFFE570  }
0xb9: {  	_ =	swait.ge [sflag:s30], $0x1F40  }
0xba: {  	[sflag:s30] =	ssyncset.done $0x0  }
0xbb: {  	[sflag:s30] =	ssyncadd.s32 $0xFFFFE0C0  }
0xbc: {  	_ =	swait.ge [sflag:s30], $0x1F40  }
0xbd: {  	[sflag:s30] =	ssyncset.done $0x0  }
0xbe: {  	[sflag:s30] =	ssyncadd.s32 $0xFFFFE0C0  }
0xbf: {  	[tilespmem:s26], [sflag:$0x1] =	stream.indirect.gather [hbm4b:s1+s31], $0x1, s4, s31, $0xb8;
	[tilespmem:$0x1D4C0] =	vst v63  }
0xc0: {  	s0 =	simm.s32 $0xBB80;
	p0 =	sgt.u32 s23, $0xA  }
0xc1: {  	[tilespmem:s0], [sflag:$0x1] =	stream.indirect.gather [hbm4b:s1+s31], $0x1, s29, s31, $0xb8;
	[tilespmem:$0x1D4C0] =	vst v63  }
0xc2: {  	s0 =	sadd.s32 @!p0 s22, s14  }
0xc3: {  	[tilespmem:s9], [sflag:$0x3] =	stream.indirect.gather [spmem:s3], $0x1, s31, s2, $0xb8;
	[tilespmem:$0x1D4C0] =	vst v63  }
0xc4: {  	s0 =	sshrl.u32 @!p0 s0, $0x3  }
0xc5: {  	[tilespmem:s11], [sflag:$0x3] =	stream.indirect.gather [spmem:s3], $0x1, s10, s2, $0xb8;
	[tilespmem:$0x1D4C0] =	vst v63  }
0xc6: {  	s25 =	simm.s32 @!p0 $0x1F40;
	s22 =	simm.s32 @!p0 $0x0;
	s19 =	sadd.s32 @!p0 s5, s0  }
0xc7: {  	[tilespmem:s25], [sflag:$0x6] =	stream.linear.gather @!p0 [hbm4b:s19+s22], $0x1F40, $0x38;
	[tilespmem:$0x1D4C0] =	vst v63  }
0xc8: {  	p1 =	seq.s32 @!p0 s23, $0x0;
	s0 =	sadd.s32 @!p0 s7, s0;
	s19 =	simm.s32 @!p0 $0x5DC0  }
0xc9: {  	[tilespmem:s19], [sflag:$0x6] =	stream.linear.gather @!p0 [hbm4b:s0+s22], $0x1F40, $0x38;
	[tilespmem:$0x1D4C0] =	vst v63  }
0xca: {  	p0 =	por p0, !p1  }
0xcb: {  	_ =	swait.ge @p0 [sflag:s20], $0x1F40  }
0xcc: {  	[sflag:s20] =	ssyncset.done @p0 $0x0  }
0xcd: {  	s22 =	simm.s32 $0x0;
	[sflag:s20] =	ssyncadd.s32 @p0 $0xFFFFE0C0  }
0xce: {  	v2 =	vld [tilespmem:s22+$0x9C70]  }
0xcf: {  	v4 =	vld [tilespmem:s22+$0xDAF0]  }
0xd0: {  	v5 =	vld [tilespmem:s22+$0x9C40]  }
0xd1: {  	v6 =	vld [tilespmem:s22+$0xDAC0]  }
0xd2: {  	v1 =	vld [tilespmem:s22+$0x9C50]  }
0xd3: {  	v3 =	vld [tilespmem:s22+$0xDAD0]  }
0xd4: {  	v0 =	vld [tilespmem:s22+$0x9C60];
	v7 =	vadd.f32 v4, v2  }
0xd5: {  	s25 =	simm.s32 $0x40;
	v4 =	vld [tilespmem:s22+$0xDAE0]  }
0xd6: {  	s19 =	simm.s32 $0x200;
	v2 =	vld [tilespmem:s25+$0x9C70];
	v5 =	vadd.f32 v6, v5;
	[tilespmem:s22+$0x11970] =	vst v7  }
.LBB2_6:
0xd7: {  	p0 =	sne.s32 s19, $0x7C00;
	v6 =	vld [tilespmem:s25+$0xDAF0]  }
0xd8: {  	v7 =	vld [tilespmem:s25+$0x9C40];
	[tilespmem:s22+$0x11940] =	vst v5;
	v3 =	vadd.f32 v3, v1  }
0xd9: {  	v5 =	vld [tilespmem:s25+$0xDAC0]  }
.Ltmp6:
0xda: {  	v1 =	vld [tilespmem:s25+$0x9C50];
	[tilespmem:s22+$0x11950] =	vst v3;
	v4 =	vadd.f32 v4, v0;
	(pc) =	sbr.rel @p0 .LBB2_6-.Ltmp6, $4  }
0xdb: {  	v3 =	vld [tilespmem:s25+$0xDAD0]  }
0xdc: {  	v0 =	vld [tilespmem:s25+$0x9C60];
	v6 =	vadd.f32 v6, v2;
	[tilespmem:s22+$0x11960] =	vst v4;
	s22 =	smov.u32 s25  }
0xdd: {  	s25 =	sshra.s32 s19, $0x2;
	v4 =	vld [tilespmem:s22+$0xDAE0]  }
0xde: {  	s19 =	sadd.s32 $0x100, s19;
	v2 =	vld [tilespmem:s25+$0x9C70];
	v5 =	vadd.f32 v5, v7;
	[tilespmem:s22+$0x11970] =	vst v6  }
0xdf: {  	v6 =	vld [tilespmem:s25+$0xDAF0]  }
0xe0: {  	v7 =	vld [tilespmem:s25+$0x9C40];
	[tilespmem:s22+$0x11940] =	vst v5;
	v1 =	vadd.f32 v3, v1  }
0xe1: {  	v62 =	vld [tilespmem:s25+$0xDAC0]  }
0xe2: {  	v5 =	vld [tilespmem:s25+$0x9C50];
	[tilespmem:s22+$0x11950] =	vst v1;
	v0 =	vadd.f32 v4, v0  }
0xe3: {  	v1 =	vld [tilespmem:s25+$0xDAD0]  }
0xe4: {  	v63 =	vld [tilespmem:s25+$0x9C60];
	[tilespmem:s22+$0x11960] =	vst v0  }
0xe5: {  	v0 =	vld [tilespmem:s25+$0xDAE0];
	_ =	sdelay $0x1  }
0xe6: {  	v2 =	vadd.f32 v6, v2  }
0xe7: {  	s0 =	smul.u32 $0x1F40, s24;
	v3 =	vadd.f32 v62, v7  }
.Ltmp7:
0xe8: {  	[tilespmem:s25+$0x11970] =	vst v2;
	v1 =	vadd.f32 v1, v5;
	(pc) =	sbr.rel .LBB2_8-.Ltmp7, $4  }
0xe9: {  	s0 =	sadd.s32 s6, s0;
	[tilespmem:s25+$0x11940] =	vst v3;
	v0 =	vadd.f32 v0, v63  }
0xea: {  	s0 =	sshrl.u32 s0, $0x3;
	[tilespmem:s25+$0x11950] =	vst v1  }
0xeb: {  	s19 =	simm.s32 $0x11940;
	s0 =	sadd.s32 s8, s0;
	[tilespmem:s25+$0x11960] =	vst v0  }
0xec: {  	[hbm4b:s0+s4] =	stream.linear.scatter [tilespmem:s19], [sflag:$0x8], $0x1F40, $0x38;
	[tilespmem:$0x1D4C0] =	vst v63  }
.LBB2_10:
0xed: {  	_ =	sfence.sel $0x180000  }
0xee: {  	[bflag:$0x0] =	sbarrier.arrive $0xFFFF  }
0xef: {  	_ =	strace $0x90000047  }
0xf0: {  	s0 =	stileid.u32;
	[bflag:$0x2] =	sbarrier.arrive $0xFFFF  }
0xf1: {  	p0 =	sne.s32 s0, $0x0;
	s0 =	rddreg [dreg:$0x3]  }
0xf2: {  	s0 =	sadd.s32 @!p0 $0x100000, s0  }
0xf3: {  	[sflag:s0] =	ssyncadd.tile.s32 @!p0 $0x1;
	_ =	shalt  }
.Lfunc_end2:
_tile_overlayer_lowered:
.L_overlay_start_2:
0xf4: {  	(tag) =	ssettag $0x2  }
0xf5: {  	s0 =	rddreg [dreg:$0x0];
	s2 =	stileid.u32  }
0xf6: {  	s1 =	rddreg [dreg:$0x1];
	p0 =	sne.s32 s2, $0x0  }
0xf7: {  	s3 =	rddreg [dreg:$0x2];
	[bflag:$0x3] =	sbarrier.arrive $0xFFFF;
	s2 =	simm.s32 @!p0 $0x1C09  }
0xf8: {  	[timem:s3], [sflag:s2] =	dma.local @!p0 [hbm:s0], s1  }
0xf9: {  	s0 =	simm.s32 @!p0 $0x9  }
0xfa: {  	_ =	swait.ge @!p0 [sflag:s0], s1  }
0xfb: {  	s1 =	ssub.s32 @!p0 $0x0, s1;
	[sflag:s0] =	ssyncset.done @!p0 $0x0  }
0xfc: {  	[sflag:s0] =	ssyncadd.s32 @!p0 s1  }
0xfd: {  	[bflag:$0x3] =	sbarrier.arrive $0xFFFF  }
0xfe: {  	_ =	shalt  }

// kernel: kernel.7.cloned.1.call-start
scs
__scs_entry_jumppad:
0x0: {  	(pc) =	sbr.rel $0x88, $3  }
0x1: {  	(tag) =	ssettag $0x0;
	lr =	simm.s32 $0x1  }
0x2: {  	[smem:$0x3F9D] =	sst lr;
	_ =	strace $0xD0000000  }
0x3: {  	_ = 	snop  }
0x4: {  	_ = 	snop  }
0x5: {  	_ = 	snop  }
0x6: {  	_ = 	snop  }
0x7: {  	_ = 	snop  }
__scs_overlays_trampoline_lowered:
0x8: {  	[smem:$0x3FAC] =	sst s0  }
0x9: {  	[smem:$0x3FAD] =	sst s1  }
0xa: {  	[smem:$0x3FAE] =	sst s2  }
0xb: {  	[smem:$0x3FAF] =	sst s3  }
0xc: {  	[smem:$0x3FB0] =	sst s4  }
0xd: {  	[smem:$0x3FB1] =	sst s5  }
0xe: {  	[smem:$0x3FB2] =	sst s6  }
0xf: {  	[smem:$0x3FB3] =	sst s7  }
0x10: {  	[smem:$0x3FB4] =	sst s8  }
0x11: {  	[smem:$0x3FB5] =	sst s9;
	s0 =	simm.s32 @!p0 $0x0  }
0x12: {  	s1 =	sld [smem:$0x3F9B];
	s0 =	simm.s32 @p0 $0x1  }
0x13: {  	[smem:$0x3FB6] =	sst s0;
	s0 =	simm.s32 @!p1 $0x0  }
0x14: {  	s2 =	sld [smem:$0x3F9A];
	s0 =	simm.s32 @p1 $0x1  }
0x15: {  	[smem:$0x3FB7] =	sst s0;
	s0 =	simm.s32 @!p2 $0x0  }
0x16: {  	s3 =	sld [smem:$0x3FDB];
	s0 =	simm.s32 @p2 $0x1  }
0x17: {  	s4 =	simm.s32 $0x1BF5;
	[smem:$0x3FB9] =	sst s0  }
0x18: {  	s0 =	sld [smem:$0x3F9C];
	_ =	swait.ge [sflag:s4], $0x0  }
0x19: {  	s7 =	sld [smem:$0x3F9D]  }
0x1a: {  	s8 =	sadd.s32 $0xFFFFE003, lr  }
0x1b: {  	s9 =	sadd.s32 $0xFFFFFEF7, lr;
	s5 =	simm.s32 $0xFFFFFFFF;
	p2 =	slt.u32 s8, $0xFFFFF086  }
0x1c: {  	p1 =	slt.u32 s9, $0xF7A;
	s5 =	simm.s32 @!p2 $0x0  }
0x1d: {  	s5 =	simm.s32 @p1 $0x1;
	p0 =	seq.s32 s7, s2  }
0x1e: {  	s7 =	smul.u32 @!p0 $0xF7A, s2;
	p2 =	seq.s32 @!p0 s5, $0x0  }
0x1f: {  	s9 =	smul.u32 $0xF7A, s1;
	s8 =	simm.s32 @!p0 $0x1BF5;
	p2 =	por !p2, p0  }
0x20: {  	[sflag:s8] =	ssyncset.s32 @!p0 $0xFFFFF086;
	s6 =	sadd.s32 @!p0 s3, s7;
	s7 =	simm.s32 @!p0 $0x108  }
0x21: {  	s3 =	sadd.s32 s3, s9;
	s6 =	sadd.s32 @!p0 $0x88, s6;
	s7 =	simm.s32 @p2 $0x1082  }
0x22: {  	[simem:s7], [sflag:s8] =	dma.local @!p0 [hbm:s6], $0xF7A  }
0x23: {  	s9 =	sor.u32 $0xD0000000, s2;
	s6 =	simm.s32 $0x108;
	_ =	swait.ge @!p0 [sflag:s8], $0x0  }
0x24: {  	s3 =	sadd.s32 $0x88, s3;
	s6 =	simm.s32 @!p1 $0x1082;
	[sflag:s4] =	ssyncset.s32 $0xFFFFF086  }
0x25: {  	[simem:s6], [sflag:s4] =	dma.local [hbm:s3], $0xF7A  }
0x26: {  	[smem:$0x3F9D] =	sst s1;
	(tag) =	ssettag s2;
	_ =	strace s9  }
0x27: {  	s1 =	sld [smem:$0x3FAD]  }
0x28: {  	s2 =	sld [smem:$0x3FAE]  }
0x29: {  	s4 =	sld [smem:$0x3FB0]  }
0x2a: {  	p0 =	seq.s32 s5, $0x0;
	s5 =	sld [smem:$0x3FB1]  }
0x2b: {  	s6 =	sld [smem:$0x3FB2]  }
0x2c: {  	s7 =	sld [smem:$0x3FB3]  }
0x2d: {  	s3 =	simm.s32 $0x108;
	s8 =	sld [smem:$0x3FB4]  }
0x2e: {  	s3 =	simm.s32 @!p0 $0x1082;
	s9 =	sld [smem:$0x3FB5]  }
0x2f: {  	lr =	sadd.s32 s0, s3;
	s0 =	sld [smem:$0x3FAC]  }
0x30: {  	s3 =	sld [smem:$0x3FAF]  }
0x31: {  	[smem:$0x3FB8] =	sst s10  }
0x32: {  	s10 =	sld [smem:$0x3FB6];
	_ =	sdelay $0x3  }
0x33: {  	p0 =	seq.s32 s10, $0x1;
	s10 =	sld [smem:$0x3FB8];
	_ =	sdelay $0x3  }
0x34: {  	[smem:$0x3FB8] =	sst s10  }
0x35: {  	s10 =	sld [smem:$0x3FB7];
	_ =	sdelay $0x3  }
0x36: {  	p1 =	seq.s32 s10, $0x1;
	s10 =	sld [smem:$0x3FB8];
	_ =	sdelay $0x3  }
0x37: {  	[smem:$0x3FB8] =	sst s10  }
0x38: {  	s10 =	sld [smem:$0x3FB9]  }
0x39: {  	_ = 	snop;
	(pc) =	sbr.ind lr, $3  }
0x3a: {  	_ = 	snop  }
0x3b: {  	_ = 	snop  }
0x3c: {  	p2 =	seq.s32 s10, $0x1;
	s10 =	sld [smem:$0x3FB8]  }
0x3d: {  	_ =	shalt  }
0x3e: {  	_ =	shalt  }
0x3f: {  	_ =	shalt  }
0x40: {  	_ =	shalt  }
0x41: {  	_ =	shalt  }
0x42: {  	_ =	shalt  }
0x43: {  	_ =	shalt  }
0x44: {  	_ =	shalt  }
0x45: {  	_ =	shalt  }
0x46: {  	_ =	shalt  }
0x47: {  	_ =	shalt  }
0x48: {  	_ =	shalt  }
0x49: {  	_ =	shalt  }
0x4a: {  	_ =	shalt  }
0x4b: {  	_ =	shalt  }
0x4c: {  	_ =	shalt  }
0x4d: {  	_ =	shalt  }
0x4e: {  	_ =	shalt  }
0x4f: {  	_ =	shalt  }
0x50: {  	_ =	shalt  }
0x51: {  	_ =	shalt  }
0x52: {  	_ =	shalt  }
0x53: {  	_ =	shalt  }
0x54: {  	_ =	shalt  }
0x55: {  	_ =	shalt  }
0x56: {  	_ =	shalt  }
0x57: {  	_ =	shalt  }
0x58: {  	_ =	shalt  }
0x59: {  	_ =	shalt  }
0x5a: {  	_ =	shalt  }
0x5b: {  	_ =	shalt  }
0x5c: {  	_ =	shalt  }
0x5d: {  	_ =	shalt  }
0x5e: {  	_ =	shalt  }
0x5f: {  	_ =	shalt  }
0x60: {  	_ =	shalt  }
0x61: {  	_ =	shalt  }
0x62: {  	_ =	shalt  }
0x63: {  	_ =	shalt  }
0x64: {  	_ =	shalt  }
0x65: {  	_ =	shalt  }
0x66: {  	_ =	shalt  }
0x67: {  	_ =	shalt  }
0x68: {  	_ =	shalt  }
0x69: {  	_ =	shalt  }
0x6a: {  	_ =	shalt  }
0x6b: {  	_ =	shalt  }
0x6c: {  	_ =	shalt  }
0x6d: {  	_ =	shalt  }
0x6e: {  	_ =	shalt  }
0x6f: {  	_ =	shalt  }
0x70: {  	_ =	shalt  }
0x71: {  	_ =	shalt  }
0x72: {  	_ =	shalt  }
0x73: {  	_ =	shalt  }
0x74: {  	_ =	shalt  }
0x75: {  	_ =	shalt  }
0x76: {  	_ =	shalt  }
0x77: {  	_ =	shalt  }
0x78: {  	_ =	shalt  }
0x79: {  	_ =	shalt  }
0x7a: {  	_ =	shalt  }
0x7b: {  	_ =	shalt  }
0x7c: {  	_ =	shalt  }
0x7d: {  	_ =	shalt  }
0x7e: {  	_ =	shalt  }
0x7f: {  	_ =	shalt  }
0x80: {  	_ =	shalt  }
0x81: {  	_ =	shalt  }
0x82: {  	_ =	shalt  }
0x83: {  	_ =	shalt  }
0x84: {  	_ =	shalt  }
0x85: {  	_ =	shalt  }
0x86: {  	_ =	shalt  }
0x87: {  	_ =	shalt  }
.Lfunc_end0:
.L_simem_size_0:
called_computation.1_lowered:
.L_overlay_start_0:
0x88: {  	s2 =	sld [smem:$0x3FD9]  }
0x89: {  	s3 =	sld [smem:$0x3FFE];
	_ =	sdelay $0x1  }
0x8a: {  	s1 =	srdreg.scid  }
0x8b: {  	s0 =	sand.u32 $0x1, s1  }
0x8c: {  	s17 =	sshll.u32 s0, $0xA;
	s2 =	sadd.s32 s3, s2  }
0x8d: {  	s2 =	sadd.s32 s2, s17  }
0x8e: {  	[smem:$0x3FC4] =	sst s2  }
0x8f: {  	_ = 	snop  }
0x90: {  	s2 =	sld [smem:$0x3FD0];
	(tm) =	ssettm $0x1  }
0x91: {  	s18 =	sld [smem:$0x3FFB];
	_ =	sdelay $0x3  }
0x92: {  	_ =	strace s18  }
0x93: {  	s3 =	sld [smem:$0x3FFC];
	_ =	sdelay $0x3  }
0x94: {  	_ =	strace s3  }
0x95: {  	s3 =	sld [smem:$0x3FFD];
	_ =	sdelay $0x3  }
0x96: {  	_ =	strace s3  }
0x97: {  	_ =	strace $0x8FFFFFFF  }
0x98: {  	s19 =	sld [smem:$0x3FDB];
	_ =	sdelay $0x1  }
0x99: {  	s4 =	simm.s32 $_scs_section_size  }
0x9a: {  	s5 =	simm.s32 $_size__tile_overlayer_lowered;
	s6 =	simm.s32 $_tile_overlayer_lowered  }
0x9b: {  	s22 =	simm.s32 $0x1BFF;
	s21 =	sshll.u32 s6, $0x1;
	s3 =	sadd.s32 s4, s19  }
0x9c: {  	s7 =	simm.s32 $0x0;
	s20 =	sshll.u32 s5, $0x1;
	s5 =	sadd.s32 s21, s3  }
0x9d: {  	[timem:s7], [sflag:s22] =	dma.local [hbm:s5], s20  }
0x9e: {  	_ =	swait.ge [sflag:s22], s20  }
0x9f: {  	s4 =	ssub.s32 $0x0, s20;
	[sflag:s22] =	ssyncset.done $0x0  }
0xa0: {  	[sflag:s22] =	ssyncadd.s32 s4;
	_ =	sdelay $0x1  }
0xa1: {  	s23 =	simm.s32 $0x1B8B  }
0xa2: {  	_ =	swait.ge [sflag:s23], $0x1  }
0xa3: {  	[sflag:s23] =	ssyncset.done $0x0  }
0xa4: {  	s25 =	simm.s32 $0x1B8E;
	s24 =	sld [smem:$0x3FFE];
	[sflag:s23] =	ssyncadd.s32 $0xFFFFFFFF  }
0xa5: {  	s26 =	simm.s32 $execute0_lowered;
	[smem:$0x3FD2] =	sst s25  }
0xa6: {  	s5 =	sshll.u32 s26, $0x1;
	_ =	strace $0x80000049;
	[dreg:$0x1] =	wrdreg $0xFFFFFFFF  }
0xa7: {  	s28 =	simm.s32 $_size_execute0_lowered;
	s3 =	sadd.s32 s3, s5;
	[dreg:$0x0] =	wrdreg $0x0  }
0xa8: {  	s5 =	sshll.u32 s28, $0x1;
	[dreg:$0x2] =	wrdreg s3  }
0xa9: {  	[dreg:$0x3] =	wrdreg s5  }
0xaa: {  	[dreg:$0x4] =	wrdreg $0xC0  }
0xab: {  	_ =	task [dreg:s7], $0x5FFFF  }
0xac: {  	[dreg:$0x1] =	wrdreg $0xFFFFFFFF  }
0xad: {  	[dreg:$0x0] =	wrdreg $0x60  }
0xae: {  	[dreg:$0x2] =	wrdreg s24  }
0xaf: {  	[dreg:$0x3] =	wrdreg s2  }
0xb0: {  	[dreg:$0x4] =	wrdreg $0x9  }
0xb1: {  	_ =	task.clear_ibuf [dreg:s7], $0x5FFFF;
	_ =	strace $0x90000049  }
0xb2: {  	s29 =	simm.s32 $0x9;
	_ =	strace $0x8000004B  }
0xb3: {  	_ =	swait.ge [sflag:s29], $0x1  }
0xb4: {  	[sflag:s29] =	ssyncadd.s32 $0xFFFFFFFF  }
0xb5: {  	_ =	strace $0x9000004B  }
0xb6: {  	_ =	sfence  }
0xb7: {  	s30 =	sld [smem:$0x0];
	_ =	sdelay $0x2  }
0xb8: {  	s31 =	sshll.u32 s1, $0xD;
	s1 =	sshrl.u32 s1, $0x2  }
0xb9: {  	s3 =	sand.u32 $0x4000, s31;
	s1 =	sadd.s32 s1, s30  }
0xba: {  	s0 =	sor.u32 s3, s0;
	s1 =	sshll.u32 s1, $0x11  }
0xbb: {  	s0 =	sor.u32 s1, s0  }
0xbc: {  	s0 =	sadd.s32 $0x8F2B, s0  }
0xbd: {  	[sflag:s0] =	ssyncadd.remote.s32 $0x1  }
0xbe: {  	_ =	sfence.sel $0xFFFF  }
0xbf: {  	[dreg:$0x0] =	wrdreg $0xFFFFFFFF;
	(pc) =	sbr.abs _section_cstart, $3  }
0xc0: {  	[dreg:$0x1] =	wrdreg $0xFFFFFFFF  }
0xc1: {  	_ =	task.clear_ibuf [dreg:s7], $0x2FFFF;
	_ =	strace $0x9FFFFFFF  }
0xc2: {  	(tm) =	ssettm $0x7FFFFFFF  }
0xc3: {  	_ =	shalt  }
tec
execute0_lowered:
.L_overlay_start_1:
0x0: {  	(tag) =	ssettag $0x1  }
0x1: {  	s5 =	rddreg [dreg:$0x0]  }
0x2: {  	s2 =	rddreg [dreg:$0x1];
	s4 =	srdreg.scid  }
0x3: {  	s1 =	stileid.u32;
	s3 =	simm.s32 $0x0;
	s13 =	simm.s32 $0x3  }
0x4: {  	s14 =	simm.s32 $0x320;
	s15 =	simm.s32 $0x640;
	s16 =	simm.s32 $0x1  }
0x5: {  	s17 =	simm.s32 $0x4;
	s18 =	simm.s32 $0xCE40;
	s19 =	simm.s32 $0x19640  }
0x6: {  	s20 =	simm.s32 $0x2;
	s21 =	simm.s32 $0x19A40;
	s22 =	simm.s32 $0x5  }
0x7: {  	s23 =	simm.s32 $0x6;
	s4 =	sand.u32 $0x1, s4;
	s6 =	sshll.u32 s1, $0x1  }
0x8: {  	s24 =	simm.s32 $0x0;
	[smem:$0x7FF] =	sst s3;
	s9 =	sor.u32 s4, s6  }
0x9: {  	_ =	strace $0x8000004A;
	s31 =	ssub.s32 $0x2, s4;
	s4 =	sadd.s32 $0x2600, s5  }
0xa: {  	s5 =	sadd.s32 $0xC5C00, s5;
	s7 =	smul.u32 $0x1900, s9;
	s8 =	sshrl.u32 s31, $0x1  }
0xb: {  	s10 =	smul.u32 $0x320, s9;
	s11 =	sshll.u32 s9, $0x7;
	s9 =	sshll.u32 s9, $0xA  }
0xc: {  	s12 =	ssub.s32 s31, s8;
	s8 =	sor.u32 $0x20, s11;
	s7 =	sshrl.u32 s7, $0x3  }
0xd: {  	s6 =	sadd.s32 s5, s10;
	s10 =	sor.u32 $0x30, s11;
	s7 =	sadd.s32 s5, s7  }
0xe: {  	s11 =	sadd.s32 $0x80, s2;
	s12 =	smax.u32 s12, $0x1;
	s7 =	sadd.s32 $0x64, s7  }
.LBB2_1:
0xf: {  	[tilespmem:s3], [sflag:$0x3] =	stream.linear.gather [hbm4b:s6+s3], $0x320, $0x38;
	[tilespmem:$0x19E40] =	vst v63  }
0x10: {  	_ =	swait.ge [sflag:s13], $0x320  }
0x11: {  	[sflag:s13] =	ssyncset.done $0x0  }
0x12: {  	[sflag:s13] =	ssyncadd.s32 $0xFFFFFCE0  }
0x13: {  	[tilespmem:s15], [sflag:$0x1] =	stream.indirect.gather [hbm4b:s4+s14], $0x40, s3, s14, $0xb8;
	[tilespmem:$0x19E40] =	vst v63  }
0x14: {  	s25 =	simm.s32 $0x0  }
0x15: {  	[tilespmem:s14], [sflag:$0x4] =	stream.linear.gather [hbm4b:s7+s3], $0x320, $0x38;
	[tilespmem:$0x19E40] =	vst v63  }
.LBB2_2:
0x16: {  	_ =	swait.ge [sflag:s16], $0xC800;
	p0 =	seq.s32 s25, $0x3  }
0x17: {  	[sflag:s16] =	ssyncset.done $0x0;
	s26 =	sshll.u32 @!p0 s25, $0x5  }
0x18: {  	p1 =	seq.s32 @!p0 s25, $0x0;
	[sflag:s16] =	ssyncadd.s32 $0xFFFF3800;
	s28 =	sadd.s32 @!p0 s26, s8  }
0x19: {  	p1 =	por p0, !p1;
	_ =	swait.ge [sflag:s17], $0x320;
	s28 =	smul.u32 @!p0 $0x32, s28  }
.Ltmp0:
0x1a: {  	[sflag:s17] =	ssyncset.done $0x0;
	(pc) =	sbr.rel @!p1 .LBB2_3-.Ltmp0, $4  }
0x1b: {  	[sflag:s17] =	ssyncadd.s32 $0xFFFFFCE0;
	s28 =	sshrl.u32 @!p0 s28, $0x3  }
0x1c: {  	[tilespmem:s18], [sflag:$0x2] =	stream.indirect.gather [hbm4b:s4+s14], $0x40, s14, s14, $0xb8;
	[tilespmem:$0x19E40] =	vst v63  }
0x1d: {  	s29 =	simm.s32 @!p0 $0x0;
	s28 =	sadd.s32 @!p0 s5, s28  }
0x1e: {  	[tilespmem:s29], [sflag:$0x3] =	stream.linear.gather @!p0 [hbm4b:s28+s29], $0x320, $0x38;
	[tilespmem:$0x19E40] =	vst v63  }
.Ltmp1:
0x1f: {  	(pc) =	sbr.rel .LBB2_5-.Ltmp1, $4  }
0x20: {  	_ = 	snop  }
0x21: {  	_ =	swait.ge [sflag:s22], $0x400  }
0x22: {  	[sflag:s22] =	ssyncset.done $0x0  }
0x23: {  	p1 =	por $0x0, $0x0;
	[sflag:s22] =	ssyncadd.s32 $0xFFFFFC00  }
.LBB2_3:
0x24: {  	p1 =	por @!p0 $0x1, $0x1  }
.LBB2_5:
0x25: {  	s28 =	sshll.u32 s25, $0x8;
	s29 =	simm.s32 $0x0;
	s30 =	simm.s32 $0x660  }
.LBB2_6:
0x26: {  	v2 =	vmov s30;
	_ =	sdelay $0x3  }
0x27: {  	s0 =	simm.s32 $0x0  }
0x28: {  	v0 =	vld.idx.msk [tilespmem:v2+s0+$0x10 ss:$0x1], $0xffff  }
0x29: {  	v3 =	vld.idx.msk [tilespmem:v2+s0+$0xFFFFFFE0 ss:$0x1], $0xffff  }
0x2a: {  	v1 =	vimm.f32 $0.0e+00;
	v4 =	vld.idx.msk [tilespmem:v2+s0+$0xFFFFFFF0 ss:$0x1], $0xffff  }
0x2b: {  	s31 =	simm.s32 $0x100;
	v8 =	vimm.f32 $0.0e+00;
	v7 =	vimm.f32 $0.0e+00;
	v6 =	vimm.f32 $0.0e+00;
	v5 =	vld.idx.msk [tilespmem:v2+s0+$0x0 ss:$0x1], $0xffff  }
.LBB2_7:
0x2c: {  	p2 =	sne.s32 s31, $0x3100  }
.Ltmp2:
0x2d: {  	s0 =	sshra.s32 s31, $0x2;
	s31 =	sadd.s32 $0x100, s31;
	(pc) =	sbr.rel @p2 .LBB2_7-.Ltmp2, $4  }
0x2e: {  	v1 =	vadd.f32 v0, v1;
	v0 =	vld.idx.msk [tilespmem:v2+s0+$0x10 ss:$0x1], $0xffff  }
0x2f: {  	v8 =	vadd.f32 v3, v8;
	v3 =	vld.idx.msk [tilespmem:v2+s0+$0xFFFFFFE0 ss:$0x1], $0xffff  }
0x30: {  	v7 =	vadd.f32 v4, v7;
	v4 =	vld.idx.msk [tilespmem:v2+s0+$0xFFFFFFF0 ss:$0x1], $0xffff  }
0x31: {  	v6 =	vadd.f32 v5, v6;
	v5 =	vld.idx.msk [tilespmem:v2+s0+$0x0 ss:$0x1], $0xffff  }
0x32: {  	s0 =	sshll.u32 s29, $0x6;
	s29 =	sadd.s32 $0x1, s29  }
0x33: {  	v0 =	vadd.f32 v0, v1;
	p2 =	sne.s32 s29, $0x10  }
.Ltmp3:
0x34: {  	s0 =	sand.u32 $0x3FFFFFC0, s0;
	v2 =	vadd.f32 v3, v8;
	(pc) =	sbr.rel @p2 .LBB2_6-.Ltmp3, $4  }
0x35: {  	v62 =	vadd.f32 v4, v7;
	[tilespmem:s0+$0x19670] =	vst v0  }
0x36: {  	v63 =	vadd.f32 v5, v6;
	[tilespmem:s0+$0x19640] =	vst v2  }
0x37: {  	[tilespmem:s0+$0x19650] =	vst v62  }
0x38: {  	s30 =	sadd.s32 $0xC80, s30;
	[tilespmem:s0+$0x19660] =	vst v63  }
0x39: {  	s28 =	sadd.s32 s9, s28  }
0x3a: {  	s0 =	sadd.s32 s2, s28  }
0x3b: {  	[hbm4b:s0+s3] =	stream.linear.scatter [tilespmem:s19], [sflag:$0x5], $0x400, $0x38;
	[tilespmem:$0x19E40] =	vst v63  }
0x3c: {  	_ =	swait.ge [sflag:s20], $0xC800  }
0x3d: {  	[sflag:s20] =	ssyncset.done $0x0  }
0x3e: {  	s26 =	sadd.s32 @!p0 s26, s10;
	s0 =	simm.s32 @!p0 $0x3;
	[sflag:s20] =	ssyncadd.s32 $0xFFFF3800  }
0x3f: {  	s26 =	smul.u32 @!p0 $0x32, s26;
	_ =	swait.ge @!p0 [sflag:s0], $0x320  }
0x40: {  	s29 =	simm.s32 @!p0 $0x0;
	s30 =	simm.s32 @!p0 $0x640;
	[sflag:s0] =	ssyncset.done @!p0 $0x0  }
0x41: {  	s26 =	sshrl.u32 @!p0 s26, $0x3;
	[sflag:s0] =	ssyncadd.s32 @!p0 $0xFFFFFCE0;
	s0 =	simm.s32 @!p0 $0x320  }
0x42: {  	[tilespmem:s30], [sflag:$0x1] =	stream.indirect.gather @!p0 [hbm4b:s4+s0], $0x40, s29, s0, $0xb8;
	[tilespmem:$0x19E40] =	vst v63  }
0x43: {  	s26 =	sadd.s32 @!p0 s5, s26  }
0x44: {  	[tilespmem:s0], [sflag:$0x4] =	stream.linear.gather @!p0 [hbm4b:s26+s29], $0x320, $0x38;
	[tilespmem:$0x19E40] =	vst v63  }
0x45: {  	p0 =	por p0, !p1  }
0x46: {  	_ =	swait.ge @p0 [sflag:s23], $0x400  }
0x47: {  	[sflag:s23] =	ssyncset.done @p0 $0x0  }
0x48: {  	s26 =	simm.s32 $0x0;
	s29 =	simm.s32 $0x640;
	[sflag:s23] =	ssyncadd.s32 @p0 $0xFFFFFC00  }
.LBB2_10:
0x49: {  	v2 =	vmov s29;
	_ =	sdelay $0x3  }
0x4a: {  	s0 =	simm.s32 $0x0  }
0x4b: {  	v0 =	vld.idx.msk [tilespmem:v2+s0+$0xC830 ss:$0x1], $0xffff  }
0x4c: {  	v3 =	vld.idx.msk [tilespmem:v2+s0+$0xC800 ss:$0x1], $0xffff  }
0x4d: {  	v1 =	vimm.f32 $0.0e+00;
	v4 =	vld.idx.msk [tilespmem:v2+s0+$0xC810 ss:$0x1], $0xffff  }
0x4e: {  	s30 =	simm.s32 $0x100;
	v8 =	vimm.f32 $0.0e+00;
	v7 =	vimm.f32 $0.0e+00;
	v6 =	vimm.f32 $0.0e+00;
	v5 =	vld.idx.msk [tilespmem:v2+s0+$0xC820 ss:$0x1], $0xffff  }
.LBB2_11:
0x4f: {  	p0 =	sne.s32 s30, $0x3100  }
.Ltmp4:
0x50: {  	s0 =	sshra.s32 s30, $0x2;
	s30 =	sadd.s32 $0x100, s30;
	(pc) =	sbr.rel @p0 .LBB2_11-.Ltmp4, $4  }
0x51: {  	v1 =	vadd.f32 v0, v1;
	v0 =	vld.idx.msk [tilespmem:v2+s0+$0xC830 ss:$0x1], $0xffff  }
0x52: {  	v8 =	vadd.f32 v3, v8;
	v3 =	vld.idx.msk [tilespmem:v2+s0+$0xC800 ss:$0x1], $0xffff  }
0x53: {  	v7 =	vadd.f32 v4, v7;
	v4 =	vld.idx.msk [tilespmem:v2+s0+$0xC810 ss:$0x1], $0xffff  }
0x54: {  	v6 =	vadd.f32 v5, v6;
	v5 =	vld.idx.msk [tilespmem:v2+s0+$0xC820 ss:$0x1], $0xffff  }
0x55: {  	s0 =	sshll.u32 s26, $0x6;
	s26 =	sadd.s32 $0x1, s26  }
0x56: {  	v0 =	vadd.f32 v0, v1;
	p0 =	sne.s32 s26, $0x10  }
.Ltmp5:
0x57: {  	s0 =	sand.u32 $0x3FFFFFC0, s0;
	v2 =	vadd.f32 v3, v8;
	(pc) =	sbr.rel @p0 .LBB2_10-.Ltmp5, $4  }
0x58: {  	v62 =	vadd.f32 v4, v7;
	[tilespmem:s0+$0x19A70] =	vst v0  }
0x59: {  	v63 =	vadd.f32 v5, v6;
	[tilespmem:s0+$0x19A40] =	vst v2  }
0x5a: {  	[tilespmem:s0+$0x19A50] =	vst v62  }
0x5b: {  	s29 =	sadd.s32 $0xC80, s29;
	[tilespmem:s0+$0x19A60] =	vst v63  }
0x5c: {  	s25 =	sadd.s32 $0x1, s25  }
0x5d: {  	p0 =	sne.s32 s25, $0x4  }
.Ltmp6:
0x5e: {  	_ = 	snop;
	(pc) =	sbr.rel @p0 .LBB2_2-.Ltmp6, $3  }
0x5f: {  	_ =	sdelay $0x1  }
0x60: {  	s0 =	sadd.s32 s28, s11  }
0x61: {  	[hbm4b:s0+s3] =	stream.linear.scatter [tilespmem:s21], [sflag:$0x6], $0x400, $0x38;
	[tilespmem:$0x19E40] =	vst v63  }
0x62: {  	s24 =	sadd.s32 $0x1, s24  }
0x63: {  	_ =	swait.ge [sflag:s22], $0x400;
	p0 =	sne.s32 s24, s12  }
.Ltmp7:
0x64: {  	[sflag:s22] =	ssyncset.done $0x0;
	(pc) =	sbr.rel @p0 .LBB2_1-.Ltmp7, $4  }
0x65: {  	[sflag:s22] =	ssyncadd.s32 $0xFFFFFC00  }
0x66: {  	_ =	swait.ge [sflag:s23], $0x400  }
0x67: {  	[sflag:s23] =	ssyncset.done $0x0  }
0x68: {  	[sflag:s23] =	ssyncadd.s32 $0xFFFFFC00  }
0x69: {  	_ =	sfence.sel $0x180000  }
0x6a: {  	[bflag:$0x0] =	sbarrier.arrive $0xFFFF  }
0x6b: {  	_ =	strace $0x9000004A  }
0x6c: {  	[bflag:$0x2] =	sbarrier.arrive $0xFFFF  }
0x6d: {  	p0 =	sne.s32 s1, $0x0;
	s0 =	rddreg [dreg:$0x2]  }
0x6e: {  	s0 =	sadd.s32 @!p0 $0x100000, s0  }
0x6f: {  	[sflag:s0] =	ssyncadd.tile.s32 @!p0 $0x1;
	_ =	shalt  }
.Lfunc_end2:
_tile_overlayer_lowered:
.L_overlay_start_2:
0x70: {  	(tag) =	ssettag $0x2  }
0x71: {  	s0 =	rddreg [dreg:$0x0];
	s2 =	stileid.u32  }
0x72: {  	s1 =	rddreg [dreg:$0x1];
	p0 =	sne.s32 s2, $0x0  }
0x73: {  	s3 =	rddreg [dreg:$0x2];
	[bflag:$0x3] =	sbarrier.arrive $0xFFFF;
	s2 =	simm.s32 @!p0 $0x1C07  }
0x74: {  	[timem:s3], [sflag:s2] =	dma.local @!p0 [hbm:s0], s1  }
0x75: {  	s0 =	simm.s32 @!p0 $0x7  }
0x76: {  	_ =	swait.ge @!p0 [sflag:s0], s1  }
0x77: {  	s1 =	ssub.s32 @!p0 $0x0, s1;
	[sflag:s0] =	ssyncset.done @!p0 $0x0  }
0x78: {  	[sflag:s0] =	ssyncadd.s32 @!p0 s1  }
0x79: {  	[bflag:$0x3] =	sbarrier.arrive $0xFFFF  }
0x7a: {  	_ =	shalt  }

</sc_bundles>
